<compile_context>
chip_gen: v7x
topology: tpu7x:2x2x1
jax: 0.10.2.dev20260603
libtpu: 0.0.44.dev20260713+nightly
codegen_flags: <defaults>
</compile_context>

<pallas_src>
import functools

import jax
import jax.numpy as jnp
from jax import lax
from jax.experimental import pallas as pl
from jax.experimental.pallas import tpu as pltpu
from jax.experimental.pallas import tpu_sc as plsc


def _transform_stage(features, weight):
    n, nin = features.shape
    fv, _, nout = weight.shape

    def body(x_ref, w_ref, o_ref):
        o_ref[...] = jnp.dot(
            x_ref[...], w_ref[0], preferred_element_type=jnp.float32
        ).astype(jnp.bfloat16)

    return pl.pallas_call(
        body,
        grid=(fv,),
        in_specs=[
            pl.BlockSpec((n, nin), lambda f: (0, 0)),
            pl.BlockSpec((1, nin, nout), lambda f: (f, 0, 0)),
        ],
        out_specs=pl.BlockSpec((n, nout), lambda f: (f, 0)),
        out_shape=jax.ShapeDtypeStruct((fv * n, nout), jnp.bfloat16),
    )(features, weight)


def _combine_stage(partials, bias):
    nc, n, nout = partials.shape

    def body(p_ref, b_ref, o_ref):
        o_ref[...] = (
            jnp.sum(p_ref[...].astype(jnp.float32), axis=0) + b_ref[...]
        )

    return pl.pallas_call(
        body,
        in_specs=[
            pl.BlockSpec((nc, n, nout), lambda: (0, 0, 0)),
            pl.BlockSpec((1, nout), lambda: (0, 0)),
        ],
        out_specs=pl.BlockSpec((n, nout), lambda: (0, 0)),
        out_shape=jax.ShapeDtypeStruct((n, nout), jnp.float32),
    )(partials, bias.reshape(1, nout))


def _scatter_stage(transformed, gidx, dst, nacc, nc, ns, chunk, cpt):
    nout = transformed.shape[1]
    rpt = nacc // ns
    lanes = nout // 32
    cpp = cpt
    mesh = plsc.VectorSubcoreMesh(core_axis_name="c", subcore_axis_name="s")

    nbuf = 8

    @functools.partial(
        pl.kernel,
        mesh=mesh,
        out_type=jax.ShapeDtypeStruct((nc, nacc, nout), jnp.bfloat16),
        scratch_types=[
            pltpu.VMEM((cpp, chunk), jnp.int32),
            pltpu.VMEM((cpp, chunk), jnp.int32),
            [pltpu.VMEM((chunk, nout), jnp.bfloat16) for _ in range(nbuf)],
            pltpu.VMEM_SHARED((nacc, nout), jnp.bfloat16),
            [pltpu.SemaphoreType.DMA for _ in range(nbuf)],
            [pltpu.SemaphoreType.DMA for _ in range(nbuf)],
        ],
        compiler_params=pltpu.CompilerParams(use_tc_tiling_on_sc=False),
    )
    def sc_fn(tr_hbm, gidx_hbm, dst_hbm, part_hbm, gall, dall, rbufs,
              acc, sg, ss):
        cid = lax.axis_index("c")
        sid = lax.axis_index("s")
        wid = cid * ns + sid
        base = wid * cpt

        idx_g = pltpu.async_copy(gidx_hbm.at[pl.ds(base, cpp)], gall, ss[0])
        idx_d = pltpu.async_copy(dst_hbm.at[pl.ds(base, cpp)], dall, ss[1])

        zvec = jnp.zeros((32,), jnp.bfloat16)

        def zbody(i, _):
            rbufs[0][i // lanes, pl.ds((i % lanes) * 32, 32)] = zvec
            return 0

        lax.fori_loop(0, chunk * lanes, zbody, 0)
        for q in range(rpt // chunk):
            pltpu.sync_copy(
                rbufs[0], acc.at[pl.ds(sid * rpt + q * chunk, chunk)]
            )
        plsc.subcore_barrier()

        def gather_start(b, j):
            pltpu.async_copy(tr_hbm.at[gall.at[j]], rbufs[b], sg[b])

        def gather_wait(b, j):
            pltpu.make_async_copy(tr_hbm.at[gall.at[j]], rbufs[b], sg[b]).wait()

        def scatter_start(b, j):
            pltpu.async_copy(rbufs[b], acc.at[dall.at[j]], ss[b], add=True)

        def scatter_wait(b, j):
            pltpu.make_async_copy(rbufs[b], acc.at[dall.at[j]], ss[b]).wait()

        idx_g.wait()
        idx_d.wait()
        for b in range(nbuf):
            gather_start(b, b)

        def body(t, _):
            for b in range(nbuf):
                j = t * nbuf + b
                gather_wait(b, j)
                scatter_start(b, j)
                b2 = (b + 6) % nbuf
                jn = j + 6

                @pl.when(jnp.logical_and(j >= 2, jn < cpp))
                def _():
                    scatter_wait(b2, j - 2)
                    gather_start(b2, jn)

            return 0

        lax.fori_loop(0, cpp // nbuf, body, 0)
        for b in range(nbuf):
            scatter_wait(b, 0)

        plsc.subcore_barrier()

        pltpu.sync_copy(
            acc.at[pl.ds(sid * rpt, rpt)],
            part_hbm.at[cid, pl.ds(sid * rpt, rpt)],
        )

    return sc_fn(transformed, gidx, dst)


def kernel(features, weight, bias, edge_index, offset_id):
    n, nin = features.shape
    fv, _, nout = weight.shape
    e = edge_index.shape[1]

    info = plsc.get_sparse_core_info()
    nc, ns = info.num_cores, info.num_subcores
    nw = nc * ns

    chunk = 128
    cpt = -(-e // (chunk * nw))
    cpt = -(-cpt // 8) * 8
    ep = cpt * chunk * nw

    rpt = -(-(n + 1) // (ns * chunk)) * chunk
    nacc = rpt * ns

    src = edge_index[0].astype(jnp.int32)
    dst = edge_index[1].astype(jnp.int32)
    off = offset_id.astype(jnp.int32)
    gidx = off * n + src
    pad = ep - e
    gidx_p = jnp.concatenate([gidx, jnp.zeros((pad,), jnp.int32)])
    dst_p = jnp.concatenate([dst, jnp.full((pad,), n, jnp.int32)])

    transformed = _transform_stage(features, weight)
    partials = _scatter_stage(
        transformed,
        gidx_p.reshape(ep // chunk, chunk),
        dst_p.reshape(ep // chunk, chunk),
        nacc,
        nc,
        ns,
        chunk,
        cpt,
    )
    return _combine_stage(partials[:, :n], bias)

# --- scband reference (transcript-rebuilt; emitter-appended) ---
"""Pipeline reference for scband-submanifold-convolution-13469017440654 (READ-ONLY COPY).

The authoritative reference and input builder live on the scoring server;
editing this copy changes nothing except your own understanding.
"""

import jax, jax.numpy as jnp
import numpy as np

N = 10000      # active sites
E = 320000     # rulebook entries (input_site, output_site, filter_offset)
NIN = 128
NOUT = 128
FV = 27        # filter volume = 3^3 for dimension=3, filter_size=3


def setup_inputs(seed: int = 0) -> dict:
    key = jax.random.key(seed)
    k1, k2, k3, k4 = jax.random.split(key, 4)
    features = jax.random.normal(k1, (N, NIN), dtype=jnp.float32)
    edge_index = jax.random.randint(k2, (2, E), 0, N).astype(jnp.int64)
    offset_id = jax.random.randint(k3, (E,), 0, FV).astype(jnp.int64)
    # weight initialized like SubmanifoldConvolution: std = (2 / nIn / filter_volume)**0.5
    std = (2.0 / NIN / FV) ** 0.5
    weight = jax.random.normal(k4, (FV, NIN, NOUT), dtype=jnp.float32) * std
    bias = jnp.zeros((NOUT,), dtype=jnp.float32)
    return {
        "features": features,
        "weight": weight,
        "bias": bias,
        "edge_index": edge_index,
        "offset_id": offset_id,
    }


def reference(features, weight, bias, edge_index, offset_id):
    # Submanifold sparse convolution expressed via its rulebook:
    # for each rule (src, dst, f): out[dst] += features[src] @ weight[f]
    # Implemented as a keyed scatter-add (gather + segment_sum) followed by
    # per-offset dense matmuls, exactly the math of SubmanifoldConvolution_updateOutput.
    src = edge_index[0]
    dst = edge_index[1]
    seg_key = offset_id * N + dst
    msgs = features[src]                                   # gather  [E, NIN]
    agg = jax.ops.segment_sum(msgs, seg_key, num_segments=FV * N)
    agg = agg.reshape(FV, N, NIN)                           # per-offset aggregated inputs
    out = jnp.einsum('fni,fio->no', agg, weight) + bias     # [N, NOUT]
    return out

if __name__ == "__main__":
    import jax
    _d = setup_inputs()
    print(jax.jit(kernel)(*tuple(_d.values())))

</pallas_src>

<mosaic_0001>
#map = affine_map<(d0, d1) -> (0, 0)>
#map1 = affine_map<(d0, d1) -> (0, 0, 0)>
module attributes {stable_mosaic.version = 14 : i64} {
  func.func @sc_fn(%arg0: i32, %arg1: i32, %arg2: memref<270000x128xbf16, #tpu.memory_space<hbm>>, %arg3: memref<2560x128xi32, #tpu.memory_space<hbm>>, %arg4: memref<2560x128xi32, #tpu.memory_space<hbm>>, %arg5: memref<2x10240x128xbf16, #tpu.memory_space<hbm>>, %arg6: memref<80x128xi32, #tpu.memory_space<vmem>>, %arg7: memref<80x128xi32, #tpu.memory_space<vmem>>, %arg8: memref<128x128xbf16, #tpu.memory_space<vmem>>, %arg9: memref<128x128xbf16, #tpu.memory_space<vmem>>, %arg10: memref<128x128xbf16, #tpu.memory_space<vmem>>, %arg11: memref<128x128xbf16, #tpu.memory_space<vmem>>, %arg12: memref<128x128xbf16, #tpu.memory_space<vmem>>, %arg13: memref<128x128xbf16, #tpu.memory_space<vmem>>, %arg14: memref<128x128xbf16, #tpu.memory_space<vmem>>, %arg15: memref<128x128xbf16, #tpu.memory_space<vmem>>, %arg16: memref<10240x128xbf16, #tpu.memory_space<vmem_shared>>, %arg17: memref<!tpu.dma_semaphore, #tpu.memory_space<semaphore_mem>>, %arg18: memref<!tpu.dma_semaphore, #tpu.memory_space<semaphore_mem>>, %arg19: memref<!tpu.dma_semaphore, #tpu.memory_space<semaphore_mem>>, %arg20: memref<!tpu.dma_semaphore, #tpu.memory_space<semaphore_mem>>, %arg21: memref<!tpu.dma_semaphore, #tpu.memory_space<semaphore_mem>>, %arg22: memref<!tpu.dma_semaphore, #tpu.memory_space<semaphore_mem>>, %arg23: memref<!tpu.dma_semaphore, #tpu.memory_space<semaphore_mem>>, %arg24: memref<!tpu.dma_semaphore, #tpu.memory_space<semaphore_mem>>, %arg25: memref<!tpu.dma_semaphore, #tpu.memory_space<semaphore_mem>>, %arg26: memref<!tpu.dma_semaphore, #tpu.memory_space<semaphore_mem>>, %arg27: memref<!tpu.dma_semaphore, #tpu.memory_space<semaphore_mem>>, %arg28: memref<!tpu.dma_semaphore, #tpu.memory_space<semaphore_mem>>, %arg29: memref<!tpu.dma_semaphore, #tpu.memory_space<semaphore_mem>>, %arg30: memref<!tpu.dma_semaphore, #tpu.memory_space<semaphore_mem>>, %arg31: memref<!tpu.dma_semaphore, #tpu.memory_space<semaphore_mem>>, %arg32: memref<!tpu.dma_semaphore, #tpu.memory_space<semaphore_mem>>) attributes {dimension_semantics = [#tpu.dimension_semantics<core_parallel>, #tpu.dimension_semantics<subcore_parallel>], iteration_bounds = array<i64: 2, 16>, scalar_prefetch = 0 : i64, scratch_operands = 27 : i64, tpu.core_type = #tpu.core_type<sc_vector_subcore>, window_params = [{transform_indices = #map}, {transform_indices = #map}, {transform_indices = #map}, {transform_indices = #map1}]} {
    %mul3A = arith.constant 16 : i32
    %mul3A_0 = arith.muli %arg0, %mul3A : i32
    %add3A = arith.addi %mul3A_0, %arg1 : i32
    %mul3A_1 = arith.constant 80 : i32
    %mul3A_2 = arith.muli %add3A, %mul3A_1 : i32
    %dma_start3A = arith.constant 0 : i32
    %dma_start3A_3 = tpu.memref_slice %arg3[%mul3A_2, %dma_start3A] : memref<2560x128xi32, #tpu.memory_space<hbm>> -> memref<80x128xi32, #tpu.memory_space<hbm>>
    %dma_start3A_4 = arith.constant 0 : i32
    %dma_start3A_5 = tpu.memref_slice %arg3[%mul3A_2, %dma_start3A_4] : memref<2560x128xi32, #tpu.memory_space<hbm>> -> memref<80x128xi32, #tpu.memory_space<hbm>>
    tpu.enqueue_dma source(%dma_start3A_5 : memref<80x128xi32, #tpu.memory_space<hbm>>) target(%arg6 : memref<80x128xi32, #tpu.memory_space<vmem>>) target_semaphore(%arg25 : memref<!tpu.dma_semaphore, #tpu.memory_space<semaphore_mem>>)
    %dma_start3A_6 = arith.constant 0 : i32
    %dma_start3A_7 = tpu.memref_slice %arg4[%mul3A_2, %dma_start3A_6] : memref<2560x128xi32, #tpu.memory_space<hbm>> -> memref<80x128xi32, #tpu.memory_space<hbm>>
    %dma_start3A_8 = arith.constant 0 : i32
    %dma_start3A_9 = tpu.memref_slice %arg4[%mul3A_2, %dma_start3A_8] : memref<2560x128xi32, #tpu.memory_space<hbm>> -> memref<80x128xi32, #tpu.memory_space<hbm>>
    tpu.enqueue_dma source(%dma_start3A_9 : memref<80x128xi32, #tpu.memory_space<hbm>>) target(%arg7 : memref<80x128xi32, #tpu.memory_space<vmem>>) target_semaphore(%arg26 : memref<!tpu.dma_semaphore, #tpu.memory_space<semaphore_mem>>)
    %broadcast_in_dim3A = arith.constant 0.000000e+00 : bf16
    %broadcast_in_dim3A_10 = vector.broadcast %broadcast_in_dim3A : bf16 to vector<32xbf16>
    %scan3A = arith.constant 0 : i32
    %scan3A_11 = arith.constant 0 : i32
    %scan3A_12 = arith.constant 512 : i32
    %scan3A_13 = arith.addi %scan3A_11, %scan3A_12 : i32
    %scan3A_14 = arith.constant 1 : i32
    %scan3A_15 = scf.for %scan3A_168 = %scan3A_11 to %scan3A_13 step %scan3A_14 iter_args(%scan3A_169 = %scan3A) -> (i32)  : i32 {
      %jit3A = arith.constant 4 : i32
      %div3A = arith.divsi %scan3A_168, %jit3A : i32
      %sign3A = arith.constant 0 : i32
      %sign3A_170 = arith.cmpi sgt, %scan3A_168, %sign3A : i32
      %sign3A_171 = arith.extui %sign3A_170 : i1 to i32
      %sign3A_172 = arith.constant 0 : i32
      %sign3A_173 = arith.cmpi slt, %scan3A_168, %sign3A_172 : i32
      %sign3A_174 = arith.extui %sign3A_173 : i1 to i32
      %sign3A_175 = arith.subi %sign3A_171, %sign3A_174 : i32
      %sign3A_176 = arith.constant 0 : i32
      %sign3A_177 = arith.cmpi sgt, %jit3A, %sign3A_176 : i32
      %sign3A_178 = arith.extui %sign3A_177 : i1 to i32
      %sign3A_179 = arith.constant 0 : i32
      %sign3A_180 = arith.cmpi slt, %jit3A, %sign3A_179 : i32
      %sign3A_181 = arith.extui %sign3A_180 : i1 to i32
      %sign3A_182 = arith.subi %sign3A_178, %sign3A_181 : i32
      %ne3A = arith.cmpi ne, %sign3A_175, %sign3A_182 : i32
      %rem3A = arith.remsi %scan3A_168, %jit3A : i32
      %ne3A_183 = arith.constant 0 : i32
      %ne3A_184 = arith.cmpi ne, %rem3A, %ne3A_183 : i32
      %and3A = arith.andi %ne3A, %ne3A_184 : i1
      %sub3A = arith.constant 1 : i32
      %sub3A_185 = arith.subi %div3A, %sub3A : i32
      %select_n3A = arith.select %and3A, %sub3A_185, %div3A : i32
      %jit3A_186 = arith.constant 4 : i32
      %eq3A = arith.constant 0 : i32
      %eq3A_187 = arith.cmpi eq, %jit3A_186, %eq3A : i32
      %jit3A_188 = arith.constant 1 : i32
      %select_n3A_189 = arith.select %eq3A_187, %jit3A_188, %jit3A_186 : i32
      %rem3A_190 = arith.remsi %scan3A_168, %select_n3A_189 : i32
      %ne3A_191 = arith.constant 0 : i32
      %ne3A_192 = arith.cmpi ne, %rem3A_190, %ne3A_191 : i32
      %lt3A = arith.constant 0 : i32
      %lt3A_193 = arith.cmpi slt, %rem3A_190, %lt3A : i32
      %lt3A_194 = arith.constant 0 : i32
      %lt3A_195 = arith.cmpi slt, %select_n3A_189, %lt3A_194 : i32
      %ne3A_196 = arith.xori %lt3A_193, %lt3A_195 : i1
      %and3A_197 = arith.andi %ne3A_196, %ne3A_192 : i1
      %add3A_198 = arith.addi %rem3A_190, %select_n3A_189 : i32
      %select_n3A_199 = arith.select %and3A_197, %add3A_198, %rem3A_190 : i32
      %mul3A_200 = arith.constant 32 : i32
      %mul3A_201 = arith.muli %select_n3A_199, %mul3A_200 : i32
      %swap3A = arith.index_cast %select_n3A : i32 to index
      %swap3A_202 = arith.index_cast %mul3A_201 : i32 to index
      %swap3A_203 = tpu.vector_load %arg8[%swap3A, %swap3A_202] {strides = array<i32>} : memref<128x128xbf16, #tpu.memory_space<vmem>>, vector<1x32xbf16>,
      %swap3A_204 = vector.shape_cast %swap3A_203 : vector<1x32xbf16> to vector<32xbf16>
      %swap3A_205 = vector.shape_cast %broadcast_in_dim3A_10 : vector<32xbf16> to vector<1x32xbf16>
      tpu.vector_store %arg8[%swap3A, %swap3A_202], %swap3A_205 {strides = array<i32>} : memref<128x128xbf16, #tpu.memory_space<vmem>>, vector<1x32xbf16>,
      %scan3A_206 = arith.constant 0 : i32
      scf.yield %scan3A_206 : i32
    }
    %scan3A_16 = arith.constant 512 : i32
    %mul3A_17 = arith.constant 640 : i32
    %mul3A_18 = arith.muli %arg1, %mul3A_17 : i32
    %add3A_19 = arith.constant 0 : i32
    %add3A_20 = arith.addi %mul3A_18, %add3A_19 : i32
    "tpu.region"() ({
      %run_scoped3A = tpu.sem_alloc : memref<!tpu.dma_semaphore, #tpu.memory_space<semaphore_mem>>
      %dma_start3A_168 = arith.constant 0 : i32
      %dma_start3A_169 = tpu.memref_slice %arg16[%add3A_20, %dma_start3A_168] : memref<10240x128xbf16, #tpu.memory_space<vmem_shared>> -> memref<128x128xbf16, #tpu.memory_space<vmem_shared>>
      %dma_start3A_170 = arith.constant 0 : i32
      %dma_start3A_171 = tpu.memref_slice %arg16[%add3A_20, %dma_start3A_170] : memref<10240x128xbf16, #tpu.memory_space<vmem_shared>> -> memref<128x128xbf16, #tpu.memory_space<vmem_shared>>
      tpu.enqueue_dma source(%arg8 : memref<128x128xbf16, #tpu.memory_space<vmem>>) target(%dma_start3A_171 : memref<128x128xbf16, #tpu.memory_space<vmem_shared>>) target_semaphore(%run_scoped3A : memref<!tpu.dma_semaphore, #tpu.memory_space<semaphore_mem>>)
      %dma_wait3A_172 = arith.constant 0 : i32
      %dma_wait3A_173 = tpu.memref_slice %arg16[%add3A_20, %dma_wait3A_172] : memref<10240x128xbf16, #tpu.memory_space<vmem_shared>> -> memref<128x128xbf16, #tpu.memory_space<vmem_shared>>
      %dma_wait3A_174 = arith.constant 0 : i32
      %dma_wait3A_175 = tpu.memref_slice %arg16[%add3A_20, %dma_wait3A_174] : memref<10240x128xbf16, #tpu.memory_space<vmem_shared>> -> memref<128x128xbf16, #tpu.memory_space<vmem_shared>>
      tpu.wait_dma2 semaphore(%run_scoped3A : memref<!tpu.dma_semaphore, #tpu.memory_space<semaphore_mem>>) src(%arg8 : memref<128x128xbf16, #tpu.memory_space<vmem>>) dst(%dma_wait3A_175 : memref<128x128xbf16, #tpu.memory_space<vmem_shared>>)
      tpu.yield
    }) : () -> ()
    %mul3A_21 = arith.constant 640 : i32
    %mul3A_22 = arith.muli %arg1, %mul3A_21 : i32
    %add3A_23 = arith.constant 128 : i32
    %add3A_24 = arith.addi %mul3A_22, %add3A_23 : i32
    "tpu.region"() ({
      %run_scoped3A = tpu.sem_alloc : memref<!tpu.dma_semaphore, #tpu.memory_space<semaphore_mem>>
      %dma_start3A_168 = arith.constant 0 : i32
      %dma_start3A_169 = tpu.memref_slice %arg16[%add3A_24, %dma_start3A_168] : memref<10240x128xbf16, #tpu.memory_space<vmem_shared>> -> memref<128x128xbf16, #tpu.memory_space<vmem_shared>>
      %dma_start3A_170 = arith.constant 0 : i32
      %dma_start3A_171 = tpu.memref_slice %arg16[%add3A_24, %dma_start3A_170] : memref<10240x128xbf16, #tpu.memory_space<vmem_shared>> -> memref<128x128xbf16, #tpu.memory_space<vmem_shared>>
      tpu.enqueue_dma source(%arg8 : memref<128x128xbf16, #tpu.memory_space<vmem>>) target(%dma_start3A_171 : memref<128x128xbf16, #tpu.memory_space<vmem_shared>>) target_semaphore(%run_scoped3A : memref<!tpu.dma_semaphore, #tpu.memory_space<semaphore_mem>>)
      %dma_wait3A_172 = arith.constant 0 : i32
      %dma_wait3A_173 = tpu.memref_slice %arg16[%add3A_24, %dma_wait3A_172] : memref<10240x128xbf16, #tpu.memory_space<vmem_shared>> -> memref<128x128xbf16, #tpu.memory_space<vmem_shared>>
      %dma_wait3A_174 = arith.constant 0 : i32
      %dma_wait3A_175 = tpu.memref_slice %arg16[%add3A_24, %dma_wait3A_174] : memref<10240x128xbf16, #tpu.memory_space<vmem_shared>> -> memref<128x128xbf16, #tpu.memory_space<vmem_shared>>
      tpu.wait_dma2 semaphore(%run_scoped3A : memref<!tpu.dma_semaphore, #tpu.memory_space<semaphore_mem>>) src(%arg8 : memref<128x128xbf16, #tpu.memory_space<vmem>>) dst(%dma_wait3A_175 : memref<128x128xbf16, #tpu.memory_space<vmem_shared>>)
      tpu.yield
    }) : () -> ()
    %mul3A_25 = arith.constant 640 : i32
    %mul3A_26 = arith.muli %arg1, %mul3A_25 : i32
    %add3A_27 = arith.constant 256 : i32
    %add3A_28 = arith.addi %mul3A_26, %add3A_27 : i32
    "tpu.region"() ({
      %run_scoped3A = tpu.sem_alloc : memref<!tpu.dma_semaphore, #tpu.memory_space<semaphore_mem>>
      %dma_start3A_168 = arith.constant 0 : i32
      %dma_start3A_169 = tpu.memref_slice %arg16[%add3A_28, %dma_start3A_168] : memref<10240x128xbf16, #tpu.memory_space<vmem_shared>> -> memref<128x128xbf16, #tpu.memory_space<vmem_shared>>
      %dma_start3A_170 = arith.constant 0 : i32
      %dma_start3A_171 = tpu.memref_slice %arg16[%add3A_28, %dma_start3A_170] : memref<10240x128xbf16, #tpu.memory_space<vmem_shared>> -> memref<128x128xbf16, #tpu.memory_space<vmem_shared>>
      tpu.enqueue_dma source(%arg8 : memref<128x128xbf16, #tpu.memory_space<vmem>>) target(%dma_start3A_171 : memref<128x128xbf16, #tpu.memory_space<vmem_shared>>) target_semaphore(%run_scoped3A : memref<!tpu.dma_semaphore, #tpu.memory_space<semaphore_mem>>)
      %dma_wait3A_172 = arith.constant 0 : i32
      %dma_wait3A_173 = tpu.memref_slice %arg16[%add3A_28, %dma_wait3A_172] : memref<10240x128xbf16, #tpu.memory_space<vmem_shared>> -> memref<128x128xbf16, #tpu.memory_space<vmem_shared>>
      %dma_wait3A_174 = arith.constant 0 : i32
      %dma_wait3A_175 = tpu.memref_slice %arg16[%add3A_28, %dma_wait3A_174] : memref<10240x128xbf16, #tpu.memory_space<vmem_shared>> -> memref<128x128xbf16, #tpu.memory_space<vmem_shared>>
      tpu.wait_dma2 semaphore(%run_scoped3A : memref<!tpu.dma_semaphore, #tpu.memory_space<semaphore_mem>>) src(%arg8 : memref<128x128xbf16, #tpu.memory_space<vmem>>) dst(%dma_wait3A_175 : memref<128x128xbf16, #tpu.memory_space<vmem_shared>>)
      tpu.yield
    }) : () -> ()
    %mul3A_29 = arith.constant 640 : i32
    %mul3A_30 = arith.muli %arg1, %mul3A_29 : i32
    %add3A_31 = arith.constant 384 : i32
    %add3A_32 = arith.addi %mul3A_30, %add3A_31 : i32
    "tpu.region"() ({
      %run_scoped3A = tpu.sem_alloc : memref<!tpu.dma_semaphore, #tpu.memory_space<semaphore_mem>>
      %dma_start3A_168 = arith.constant 0 : i32
      %dma_start3A_169 = tpu.memref_slice %arg16[%add3A_32, %dma_start3A_168] : memref<10240x128xbf16, #tpu.memory_space<vmem_shared>> -> memref<128x128xbf16, #tpu.memory_space<vmem_shared>>
      %dma_start3A_170 = arith.constant 0 : i32
      %dma_start3A_171 = tpu.memref_slice %arg16[%add3A_32, %dma_start3A_170] : memref<10240x128xbf16, #tpu.memory_space<vmem_shared>> -> memref<128x128xbf16, #tpu.memory_space<vmem_shared>>
      tpu.enqueue_dma source(%arg8 : memref<128x128xbf16, #tpu.memory_space<vmem>>) target(%dma_start3A_171 : memref<128x128xbf16, #tpu.memory_space<vmem_shared>>) target_semaphore(%run_scoped3A : memref<!tpu.dma_semaphore, #tpu.memory_space<semaphore_mem>>)
      %dma_wait3A_172 = arith.constant 0 : i32
      %dma_wait3A_173 = tpu.memref_slice %arg16[%add3A_32, %dma_wait3A_172] : memref<10240x128xbf16, #tpu.memory_space<vmem_shared>> -> memref<128x128xbf16, #tpu.memory_space<vmem_shared>>
      %dma_wait3A_174 = arith.constant 0 : i32
      %dma_wait3A_175 = tpu.memref_slice %arg16[%add3A_32, %dma_wait3A_174] : memref<10240x128xbf16, #tpu.memory_space<vmem_shared>> -> memref<128x128xbf16, #tpu.memory_space<vmem_shared>>
      tpu.wait_dma2 semaphore(%run_scoped3A : memref<!tpu.dma_semaphore, #tpu.memory_space<semaphore_mem>>) src(%arg8 : memref<128x128xbf16, #tpu.memory_space<vmem>>) dst(%dma_wait3A_175 : memref<128x128xbf16, #tpu.memory_space<vmem_shared>>)
      tpu.yield
    }) : () -> ()
    %mul3A_33 = arith.constant 640 : i32
    %mul3A_34 = arith.muli %arg1, %mul3A_33 : i32
    %add3A_35 = arith.constant 512 : i32
    %add3A_36 = arith.addi %mul3A_34, %add3A_35 : i32
    "tpu.region"() ({
      %run_scoped3A = tpu.sem_alloc : memref<!tpu.dma_semaphore, #tpu.memory_space<semaphore_mem>>
      %dma_start3A_168 = arith.constant 0 : i32
      %dma_start3A_169 = tpu.memref_slice %arg16[%add3A_36, %dma_start3A_168] : memref<10240x128xbf16, #tpu.memory_space<vmem_shared>> -> memref<128x128xbf16, #tpu.memory_space<vmem_shared>>
      %dma_start3A_170 = arith.constant 0 : i32
      %dma_start3A_171 = tpu.memref_slice %arg16[%add3A_36, %dma_start3A_170] : memref<10240x128xbf16, #tpu.memory_space<vmem_shared>> -> memref<128x128xbf16, #tpu.memory_space<vmem_shared>>
      tpu.enqueue_dma source(%arg8 : memref<128x128xbf16, #tpu.memory_space<vmem>>) target(%dma_start3A_171 : memref<128x128xbf16, #tpu.memory_space<vmem_shared>>) target_semaphore(%run_scoped3A : memref<!tpu.dma_semaphore, #tpu.memory_space<semaphore_mem>>)
      %dma_wait3A_172 = arith.constant 0 : i32
      %dma_wait3A_173 = tpu.memref_slice %arg16[%add3A_36, %dma_wait3A_172] : memref<10240x128xbf16, #tpu.memory_space<vmem_shared>> -> memref<128x128xbf16, #tpu.memory_space<vmem_shared>>
      %dma_wait3A_174 = arith.constant 0 : i32
      %dma_wait3A_175 = tpu.memref_slice %arg16[%add3A_36, %dma_wait3A_174] : memref<10240x128xbf16, #tpu.memory_space<vmem_shared>> -> memref<128x128xbf16, #tpu.memory_space<vmem_shared>>
      tpu.wait_dma2 semaphore(%run_scoped3A : memref<!tpu.dma_semaphore, #tpu.memory_space<semaphore_mem>>) src(%arg8 : memref<128x128xbf16, #tpu.memory_space<vmem>>) dst(%dma_wait3A_175 : memref<128x128xbf16, #tpu.memory_space<vmem_shared>>)
      tpu.yield
    }) : () -> ()
    %barrier3A = arith.constant 0 : index
    tpu.barrier barrier_id(%barrier3A)
    %dma_wait3A = arith.constant 0 : i32
    %dma_wait3A_37 = tpu.memref_slice %arg3[%mul3A_2, %dma_wait3A] : memref<2560x128xi32, #tpu.memory_space<hbm>> -> memref<80x128xi32, #tpu.memory_space<hbm>>
    %dma_wait3A_38 = arith.constant 0 : i32
    %dma_wait3A_39 = tpu.memref_slice %arg3[%mul3A_2, %dma_wait3A_38] : memref<2560x128xi32, #tpu.memory_space<hbm>> -> memref<80x128xi32, #tpu.memory_space<hbm>>
    tpu.wait_dma2 semaphore(%arg25 : memref<!tpu.dma_semaphore, #tpu.memory_space<semaphore_mem>>) src(%dma_wait3A_39 : memref<80x128xi32, #tpu.memory_space<hbm>>) dst(%arg6 : memref<80x128xi32, #tpu.memory_space<vmem>>)
    %dma_wait3A_40 = arith.constant 0 : i32
    %dma_wait3A_41 = tpu.memref_slice %arg4[%mul3A_2, %dma_wait3A_40] : memref<2560x128xi32, #tpu.memory_space<hbm>> -> memref<80x128xi32, #tpu.memory_space<hbm>>
    %dma_wait3A_42 = arith.constant 0 : i32
    %dma_wait3A_43 = tpu.memref_slice %arg4[%mul3A_2, %dma_wait3A_42] : memref<2560x128xi32, #tpu.memory_space<hbm>> -> memref<80x128xi32, #tpu.memory_space<hbm>>
    tpu.wait_dma2 semaphore(%arg26 : memref<!tpu.dma_semaphore, #tpu.memory_space<semaphore_mem>>) src(%dma_wait3A_43 : memref<80x128xi32, #tpu.memory_space<hbm>>) dst(%arg7 : memref<80x128xi32, #tpu.memory_space<vmem>>)
    %dma_start3A_44 = arith.constant 0 : i32
    %dma_start3A_45 = arith.constant 0 : i32
    %dma_start3A_46 = tpu.memref_slice %arg6[%dma_start3A_44, %dma_start3A_45] : memref<80x128xi32, #tpu.memory_space<vmem>> -> memref<1x128xi32, #tpu.memory_space<vmem>>
    %dma_start3A_47 = tpu.memref_squeeze %dma_start3A_46 : memref<1x128xi32, #tpu.memory_space<vmem>> -> memref<128xi32, #tpu.memory_space<vmem>>
    %dma_start3A_48 = arith.constant 0 : i32
    %dma_start3A_49 = arith.constant 0 : i32
    %dma_start3A_50 = tpu.memref_slice %arg2[%dma_start3A_48, %dma_start3A_49] : memref<270000x128xbf16, #tpu.memory_space<hbm>> -> memref<270000x128xbf16, #tpu.memory_space<hbm>>
    tpu.enqueue_indirect_dma source(%dma_start3A_50 : memref<270000x128xbf16, #tpu.memory_space<hbm>>) target(%arg8 : memref<128x128xbf16, #tpu.memory_space<vmem>>) offsets(%dma_start3A_47 : memref<128xi32, #tpu.memory_space<vmem>>) semaphore(%arg17 : memref<!tpu.dma_semaphore, #tpu.memory_space<semaphore_mem>>)
    %dma_start3A_51 = arith.constant 1 : i32
    %dma_start3A_52 = arith.constant 0 : i32
    %dma_start3A_53 = tpu.memref_slice %arg6[%dma_start3A_51, %dma_start3A_52] : memref<80x128xi32, #tpu.memory_space<vmem>> -> memref<1x128xi32, #tpu.memory_space<vmem>>
    %dma_start3A_54 = tpu.memref_squeeze %dma_start3A_53 : memref<1x128xi32, #tpu.memory_space<vmem>> -> memref<128xi32, #tpu.memory_space<vmem>>
    %dma_start3A_55 = arith.constant 0 : i32
    %dma_start3A_56 = arith.constant 0 : i32
    %dma_start3A_57 = tpu.memref_slice %arg2[%dma_start3A_55, %dma_start3A_56] : memref<270000x128xbf16, #tpu.memory_space<hbm>> -> memref<270000x128xbf16, #tpu.memory_space<hbm>>
    tpu.enqueue_indirect_dma source(%dma_start3A_57 : memref<270000x128xbf16, #tpu.memory_space<hbm>>) target(%arg9 : memref<128x128xbf16, #tpu.memory_space<vmem>>) offsets(%dma_start3A_54 : memref<128xi32, #tpu.memory_space<vmem>>) semaphore(%arg18 : memref<!tpu.dma_semaphore, #tpu.memory_space<semaphore_mem>>)
    %dma_start3A_58 = arith.constant 2 : i32
    %dma_start3A_59 = arith.constant 0 : i32
    %dma_start3A_60 = tpu.memref_slice %arg6[%dma_start3A_58, %dma_start3A_59] : memref<80x128xi32, #tpu.memory_space<vmem>> -> memref<1x128xi32, #tpu.memory_space<vmem>>
    %dma_start3A_61 = tpu.memref_squeeze %dma_start3A_60 : memref<1x128xi32, #tpu.memory_space<vmem>> -> memref<128xi32, #tpu.memory_space<vmem>>
    %dma_start3A_62 = arith.constant 0 : i32
    %dma_start3A_63 = arith.constant 0 : i32
    %dma_start3A_64 = tpu.memref_slice %arg2[%dma_start3A_62, %dma_start3A_63] : memref<270000x128xbf16, #tpu.memory_space<hbm>> -> memref<270000x128xbf16, #tpu.memory_space<hbm>>
    tpu.enqueue_indirect_dma source(%dma_start3A_64 : memref<270000x128xbf16, #tpu.memory_space<hbm>>) target(%arg10 : memref<128x128xbf16, #tpu.memory_space<vmem>>) offsets(%dma_start3A_61 : memref<128xi32, #tpu.memory_space<vmem>>) semaphore(%arg19 : memref<!tpu.dma_semaphore, #tpu.memory_space<semaphore_mem>>)
    %dma_start3A_65 = arith.constant 3 : i32
    %dma_start3A_66 = arith.constant 0 : i32
    %dma_start3A_67 = tpu.memref_slice %arg6[%dma_start3A_65, %dma_start3A_66] : memref<80x128xi32, #tpu.memory_space<vmem>> -> memref<1x128xi32, #tpu.memory_space<vmem>>
    %dma_start3A_68 = tpu.memref_squeeze %dma_start3A_67 : memref<1x128xi32, #tpu.memory_space<vmem>> -> memref<128xi32, #tpu.memory_space<vmem>>
    %dma_start3A_69 = arith.constant 0 : i32
    %dma_start3A_70 = arith.constant 0 : i32
    %dma_start3A_71 = tpu.memref_slice %arg2[%dma_start3A_69, %dma_start3A_70] : memref<270000x128xbf16, #tpu.memory_space<hbm>> -> memref<270000x128xbf16, #tpu.memory_space<hbm>>
    tpu.enqueue_indirect_dma source(%dma_start3A_71 : memref<270000x128xbf16, #tpu.memory_space<hbm>>) target(%arg11 : memref<128x128xbf16, #tpu.memory_space<vmem>>) offsets(%dma_start3A_68 : memref<128xi32, #tpu.memory_space<vmem>>) semaphore(%arg20 : memref<!tpu.dma_semaphore, #tpu.memory_space<semaphore_mem>>)
    %dma_start3A_72 = arith.constant 4 : i32
    %dma_start3A_73 = arith.constant 0 : i32
    %dma_start3A_74 = tpu.memref_slice %arg6[%dma_start3A_72, %dma_start3A_73] : memref<80x128xi32, #tpu.memory_space<vmem>> -> memref<1x128xi32, #tpu.memory_space<vmem>>
    %dma_start3A_75 = tpu.memref_squeeze %dma_start3A_74 : memref<1x128xi32, #tpu.memory_space<vmem>> -> memref<128xi32, #tpu.memory_space<vmem>>
    %dma_start3A_76 = arith.constant 0 : i32
    %dma_start3A_77 = arith.constant 0 : i32
    %dma_start3A_78 = tpu.memref_slice %arg2[%dma_start3A_76, %dma_start3A_77] : memref<270000x128xbf16, #tpu.memory_space<hbm>> -> memref<270000x128xbf16, #tpu.memory_space<hbm>>
    tpu.enqueue_indirect_dma source(%dma_start3A_78 : memref<270000x128xbf16, #tpu.memory_space<hbm>>) target(%arg12 : memref<128x128xbf16, #tpu.memory_space<vmem>>) offsets(%dma_start3A_75 : memref<128xi32, #tpu.memory_space<vmem>>) semaphore(%arg21 : memref<!tpu.dma_semaphore, #tpu.memory_space<semaphore_mem>>)
    %dma_start3A_79 = arith.constant 5 : i32
    %dma_start3A_80 = arith.constant 0 : i32
    %dma_start3A_81 = tpu.memref_slice %arg6[%dma_start3A_79, %dma_start3A_80] : memref<80x128xi32, #tpu.memory_space<vmem>> -> memref<1x128xi32, #tpu.memory_space<vmem>>
    %dma_start3A_82 = tpu.memref_squeeze %dma_start3A_81 : memref<1x128xi32, #tpu.memory_space<vmem>> -> memref<128xi32, #tpu.memory_space<vmem>>
    %dma_start3A_83 = arith.constant 0 : i32
    %dma_start3A_84 = arith.constant 0 : i32
    %dma_start3A_85 = tpu.memref_slice %arg2[%dma_start3A_83, %dma_start3A_84] : memref<270000x128xbf16, #tpu.memory_space<hbm>> -> memref<270000x128xbf16, #tpu.memory_space<hbm>>
    tpu.enqueue_indirect_dma source(%dma_start3A_85 : memref<270000x128xbf16, #tpu.memory_space<hbm>>) target(%arg13 : memref<128x128xbf16, #tpu.memory_space<vmem>>) offsets(%dma_start3A_82 : memref<128xi32, #tpu.memory_space<vmem>>) semaphore(%arg22 : memref<!tpu.dma_semaphore, #tpu.memory_space<semaphore_mem>>)
    %dma_start3A_86 = arith.constant 6 : i32
    %dma_start3A_87 = arith.constant 0 : i32
    %dma_start3A_88 = tpu.memref_slice %arg6[%dma_start3A_86, %dma_start3A_87] : memref<80x128xi32, #tpu.memory_space<vmem>> -> memref<1x128xi32, #tpu.memory_space<vmem>>
    %dma_start3A_89 = tpu.memref_squeeze %dma_start3A_88 : memref<1x128xi32, #tpu.memory_space<vmem>> -> memref<128xi32, #tpu.memory_space<vmem>>
    %dma_start3A_90 = arith.constant 0 : i32
    %dma_start3A_91 = arith.constant 0 : i32
    %dma_start3A_92 = tpu.memref_slice %arg2[%dma_start3A_90, %dma_start3A_91] : memref<270000x128xbf16, #tpu.memory_space<hbm>> -> memref<270000x128xbf16, #tpu.memory_space<hbm>>
    tpu.enqueue_indirect_dma source(%dma_start3A_92 : memref<270000x128xbf16, #tpu.memory_space<hbm>>) target(%arg14 : memref<128x128xbf16, #tpu.memory_space<vmem>>) offsets(%dma_start3A_89 : memref<128xi32, #tpu.memory_space<vmem>>) semaphore(%arg23 : memref<!tpu.dma_semaphore, #tpu.memory_space<semaphore_mem>>)
    %dma_start3A_93 = arith.constant 7 : i32
    %dma_start3A_94 = arith.constant 0 : i32
    %dma_start3A_95 = tpu.memref_slice %arg6[%dma_start3A_93, %dma_start3A_94] : memref<80x128xi32, #tpu.memory_space<vmem>> -> memref<1x128xi32, #tpu.memory_space<vmem>>
    %dma_start3A_96 = tpu.memref_squeeze %dma_start3A_95 : memref<1x128xi32, #tpu.memory_space<vmem>> -> memref<128xi32, #tpu.memory_space<vmem>>
    %dma_start3A_97 = arith.constant 0 : i32
    %dma_start3A_98 = arith.constant 0 : i32
    %dma_start3A_99 = tpu.memref_slice %arg2[%dma_start3A_97, %dma_start3A_98] : memref<270000x128xbf16, #tpu.memory_space<hbm>> -> memref<270000x128xbf16, #tpu.memory_space<hbm>>
    tpu.enqueue_indirect_dma source(%dma_start3A_99 : memref<270000x128xbf16, #tpu.memory_space<hbm>>) target(%arg15 : memref<128x128xbf16, #tpu.memory_space<vmem>>) offsets(%dma_start3A_96 : memref<128xi32, #tpu.memory_space<vmem>>) semaphore(%arg24 : memref<!tpu.dma_semaphore, #tpu.memory_space<semaphore_mem>>)
    %scan3A_100 = arith.constant 0 : i32
    %scan3A_101 = arith.constant 0 : i32
    %scan3A_102 = arith.constant 10 : i32
    %scan3A_103 = arith.addi %scan3A_101, %scan3A_102 : i32
    %scan3A_104 = arith.constant 1 : i32
    %scan3A_105 = scf.for %scan3A_168 = %scan3A_101 to %scan3A_103 step %scan3A_104 iter_args(%scan3A_169 = %scan3A_100) -> (i32)  : i32 {
      %mul3A_170 = arith.constant 8 : i32
      %mul3A_171 = arith.muli %scan3A_168, %mul3A_170 : i32
      %add3A_172 = arith.constant 0 : i32
      %add3A_173 = arith.addi %mul3A_171, %add3A_172 : i32
      %dma_wait3A_174 = arith.constant 0 : i32
      %dma_wait3A_175 = tpu.memref_slice %arg6[%add3A_173, %dma_wait3A_174] : memref<80x128xi32, #tpu.memory_space<vmem>> -> memref<1x128xi32, #tpu.memory_space<vmem>>
      %dma_wait3A_176 = tpu.memref_squeeze %dma_wait3A_175 : memref<1x128xi32, #tpu.memory_space<vmem>> -> memref<128xi32, #tpu.memory_space<vmem>>
      %dma_wait3A_177 = arith.constant 0 : i32
      %dma_wait3A_178 = arith.constant 0 : i32
      %dma_wait3A_179 = tpu.memref_slice %arg2[%dma_wait3A_177, %dma_wait3A_178] : memref<270000x128xbf16, #tpu.memory_space<hbm>> -> memref<270000x128xbf16, #tpu.memory_space<hbm>>
      tpu.wait_indirect_dma semaphore(%arg17 : memref<!tpu.dma_semaphore, #tpu.memory_space<semaphore_mem>>) src(%dma_wait3A_179 : memref<270000x128xbf16, #tpu.memory_space<hbm>>) dst(%arg8 : memref<128x128xbf16, #tpu.memory_space<vmem>>)
      %dma_start3A_180 = arith.constant 0 : i32
      %dma_start3A_181 = tpu.memref_slice %arg7[%add3A_173, %dma_start3A_180] : memref<80x128xi32, #tpu.memory_space<vmem>> -> memref<1x128xi32, #tpu.memory_space<vmem>>
      %dma_start3A_182 = tpu.memref_squeeze %dma_start3A_181 : memref<1x128xi32, #tpu.memory_space<vmem>> -> memref<128xi32, #tpu.memory_space<vmem>>
      %dma_start3A_183 = arith.constant 0 : i32
      %dma_start3A_184 = arith.constant 0 : i32
      %dma_start3A_185 = tpu.memref_slice %arg16[%dma_start3A_183, %dma_start3A_184] : memref<10240x128xbf16, #tpu.memory_space<vmem_shared>> -> memref<10240x128xbf16, #tpu.memory_space<vmem_shared>>
      tpu.enqueue_indirect_dma source(%arg8 : memref<128x128xbf16, #tpu.memory_space<vmem>>) target(%dma_start3A_185 : memref<10240x128xbf16, #tpu.memory_space<vmem_shared>>) offsets(%dma_start3A_182 : memref<128xi32, #tpu.memory_space<vmem>>) semaphore(%arg25 : memref<!tpu.dma_semaphore, #tpu.memory_space<semaphore_mem>>) {add = true}
      %add3A_186 = arith.constant 6 : i32
      %add3A_187 = arith.addi %add3A_173, %add3A_186 : i32
      %ge3A = arith.constant 2 : i32
      %ge3A_188 = arith.cmpi sge, %add3A_173, %ge3A : i32
      %lt3A = arith.constant 80 : i32
      %lt3A_189 = arith.cmpi slt, %add3A_187, %lt3A : i32
      %and3A = arith.andi %ge3A_188, %lt3A_189 : i1
      %convert_element_type3A = arith.extui %and3A : i1 to i32
      %cond3A = arith.constant 0 : i32
      %cond3A_190 = arith.cmpi ne, %convert_element_type3A, %cond3A : i32
      scf.if %cond3A_190 {
        %sub3A = arith.constant 2 : i32
        %sub3A_374 = arith.subi %add3A_173, %sub3A : i32
        %dma_wait3A_375 = arith.constant 0 : i32
        %dma_wait3A_376 = tpu.memref_slice %arg7[%sub3A_374, %dma_wait3A_375] : memref<80x128xi32, #tpu.memory_space<vmem>> -> memref<1x128xi32, #tpu.memory_space<vmem>>
        %dma_wait3A_377 = tpu.memref_squeeze %dma_wait3A_376 : memref<1x128xi32, #tpu.memory_space<vmem>> -> memref<128xi32, #tpu.memory_space<vmem>>
        %dma_wait3A_378 = arith.constant 0 : i32
        %dma_wait3A_379 = arith.constant 0 : i32
        %dma_wait3A_380 = tpu.memref_slice %arg16[%dma_wait3A_378, %dma_wait3A_379] : memref<10240x128xbf16, #tpu.memory_space<vmem_shared>> -> memref<10240x128xbf16, #tpu.memory_space<vmem_shared>>
        tpu.wait_indirect_dma semaphore(%arg31 : memref<!tpu.dma_semaphore, #tpu.memory_space<semaphore_mem>>) src(%arg14 : memref<128x128xbf16, #tpu.memory_space<vmem>>) dst(%dma_wait3A_380 : memref<10240x128xbf16, #tpu.memory_space<vmem_shared>>)
        %dma_start3A_381 = arith.constant 0 : i32
        %dma_start3A_382 = tpu.memref_slice %arg6[%add3A_187, %dma_start3A_381] : memref<80x128xi32, #tpu.memory_space<vmem>> -> memref<1x128xi32, #tpu.memory_space<vmem>>
        %dma_start3A_383 = tpu.memref_squeeze %dma_start3A_382 : memref<1x128xi32, #tpu.memory_space<vmem>> -> memref<128xi32, #tpu.memory_space<vmem>>
        %dma_start3A_384 = arith.constant 0 : i32
        %dma_start3A_385 = arith.constant 0 : i32
        %dma_start3A_386 = tpu.memref_slice %arg2[%dma_start3A_384, %dma_start3A_385] : memref<270000x128xbf16, #tpu.memory_space<hbm>> -> memref<270000x128xbf16, #tpu.memory_space<hbm>>
        tpu.enqueue_indirect_dma source(%dma_start3A_386 : memref<270000x128xbf16, #tpu.memory_space<hbm>>) target(%arg14 : memref<128x128xbf16, #tpu.memory_space<vmem>>) offsets(%dma_start3A_383 : memref<128xi32, #tpu.memory_space<vmem>>) semaphore(%arg23 : memref<!tpu.dma_semaphore, #tpu.memory_space<semaphore_mem>>)
      } else {
      }
      %mul3A_191 = arith.constant 8 : i32
      %mul3A_192 = arith.muli %scan3A_168, %mul3A_191 : i32
      %add3A_193 = arith.constant 1 : i32
      %add3A_194 = arith.addi %mul3A_192, %add3A_193 : i32
      %dma_wait3A_195 = arith.constant 0 : i32
      %dma_wait3A_196 = tpu.memref_slice %arg6[%add3A_194, %dma_wait3A_195] : memref<80x128xi32, #tpu.memory_space<vmem>> -> memref<1x128xi32, #tpu.memory_space<vmem>>
      %dma_wait3A_197 = tpu.memref_squeeze %dma_wait3A_196 : memref<1x128xi32, #tpu.memory_space<vmem>> -> memref<128xi32, #tpu.memory_space<vmem>>
      %dma_wait3A_198 = arith.constant 0 : i32
      %dma_wait3A_199 = arith.constant 0 : i32
      %dma_wait3A_200 = tpu.memref_slice %arg2[%dma_wait3A_198, %dma_wait3A_199] : memref<270000x128xbf16, #tpu.memory_space<hbm>> -> memref<270000x128xbf16, #tpu.memory_space<hbm>>
      tpu.wait_indirect_dma semaphore(%arg18 : memref<!tpu.dma_semaphore, #tpu.memory_space<semaphore_mem>>) src(%dma_wait3A_200 : memref<270000x128xbf16, #tpu.memory_space<hbm>>) dst(%arg9 : memref<128x128xbf16, #tpu.memory_space<vmem>>)
      %dma_start3A_201 = arith.constant 0 : i32
      %dma_start3A_202 = tpu.memref_slice %arg7[%add3A_194, %dma_start3A_201] : memref<80x128xi32, #tpu.memory_space<vmem>> -> memref<1x128xi32, #tpu.memory_space<vmem>>
      %dma_start3A_203 = tpu.memref_squeeze %dma_start3A_202 : memref<1x128xi32, #tpu.memory_space<vmem>> -> memref<128xi32, #tpu.memory_space<vmem>>
      %dma_start3A_204 = arith.constant 0 : i32
      %dma_start3A_205 = arith.constant 0 : i32
      %dma_start3A_206 = tpu.memref_slice %arg16[%dma_start3A_204, %dma_start3A_205] : memref<10240x128xbf16, #tpu.memory_space<vmem_shared>> -> memref<10240x128xbf16, #tpu.memory_space<vmem_shared>>
      tpu.enqueue_indirect_dma source(%arg9 : memref<128x128xbf16, #tpu.memory_space<vmem>>) target(%dma_start3A_206 : memref<10240x128xbf16, #tpu.memory_space<vmem_shared>>) offsets(%dma_start3A_203 : memref<128xi32, #tpu.memory_space<vmem>>) semaphore(%arg26 : memref<!tpu.dma_semaphore, #tpu.memory_space<semaphore_mem>>) {add = true}
      %add3A_207 = arith.constant 6 : i32
      %add3A_208 = arith.addi %add3A_194, %add3A_207 : i32
      %ge3A_209 = arith.constant 2 : i32
      %ge3A_210 = arith.cmpi sge, %add3A_194, %ge3A_209 : i32
      %lt3A_211 = arith.constant 80 : i32
      %lt3A_212 = arith.cmpi slt, %add3A_208, %lt3A_211 : i32
      %and3A_213 = arith.andi %ge3A_210, %lt3A_212 : i1
      %convert_element_type3A_214 = arith.extui %and3A_213 : i1 to i32
      %cond3A_215 = arith.constant 0 : i32
      %cond3A_216 = arith.cmpi ne, %convert_element_type3A_214, %cond3A_215 : i32
      scf.if %cond3A_216 {
        %sub3A = arith.constant 2 : i32
        %sub3A_374 = arith.subi %add3A_194, %sub3A : i32
        %dma_wait3A_375 = arith.constant 0 : i32
        %dma_wait3A_376 = tpu.memref_slice %arg7[%sub3A_374, %dma_wait3A_375] : memref<80x128xi32, #tpu.memory_space<vmem>> -> memref<1x128xi32, #tpu.memory_space<vmem>>
        %dma_wait3A_377 = tpu.memref_squeeze %dma_wait3A_376 : memref<1x128xi32, #tpu.memory_space<vmem>> -> memref<128xi32, #tpu.memory_space<vmem>>
        %dma_wait3A_378 = arith.constant 0 : i32
        %dma_wait3A_379 = arith.constant 0 : i32
        %dma_wait3A_380 = tpu.memref_slice %arg16[%dma_wait3A_378, %dma_wait3A_379] : memref<10240x128xbf16, #tpu.memory_space<vmem_shared>> -> memref<10240x128xbf16, #tpu.memory_space<vmem_shared>>
        tpu.wait_indirect_dma semaphore(%arg32 : memref<!tpu.dma_semaphore, #tpu.memory_space<semaphore_mem>>) src(%arg15 : memref<128x128xbf16, #tpu.memory_space<vmem>>) dst(%dma_wait3A_380 : memref<10240x128xbf16, #tpu.memory_space<vmem_shared>>)
        %dma_start3A_381 = arith.constant 0 : i32
        %dma_start3A_382 = tpu.memref_slice %arg6[%add3A_208, %dma_start3A_381] : memref<80x128xi32, #tpu.memory_space<vmem>> -> memref<1x128xi32, #tpu.memory_space<vmem>>
        %dma_start3A_383 = tpu.memref_squeeze %dma_start3A_382 : memref<1x128xi32, #tpu.memory_space<vmem>> -> memref<128xi32, #tpu.memory_space<vmem>>
        %dma_start3A_384 = arith.constant 0 : i32
        %dma_start3A_385 = arith.constant 0 : i32
        %dma_start3A_386 = tpu.memref_slice %arg2[%dma_start3A_384, %dma_start3A_385] : memref<270000x128xbf16, #tpu.memory_space<hbm>> -> memref<270000x128xbf16, #tpu.memory_space<hbm>>
        tpu.enqueue_indirect_dma source(%dma_start3A_386 : memref<270000x128xbf16, #tpu.memory_space<hbm>>) target(%arg15 : memref<128x128xbf16, #tpu.memory_space<vmem>>) offsets(%dma_start3A_383 : memref<128xi32, #tpu.memory_space<vmem>>) semaphore(%arg24 : memref<!tpu.dma_semaphore, #tpu.memory_space<semaphore_mem>>)
      } else {
      }
      %mul3A_217 = arith.constant 8 : i32
      %mul3A_218 = arith.muli %scan3A_168, %mul3A_217 : i32
      %add3A_219 = arith.constant 2 : i32
      %add3A_220 = arith.addi %mul3A_218, %add3A_219 : i32
      %dma_wait3A_221 = arith.constant 0 : i32
      %dma_wait3A_222 = tpu.memref_slice %arg6[%add3A_220, %dma_wait3A_221] : memref<80x128xi32, #tpu.memory_space<vmem>> -> memref<1x128xi32, #tpu.memory_space<vmem>>
      %dma_wait3A_223 = tpu.memref_squeeze %dma_wait3A_222 : memref<1x128xi32, #tpu.memory_space<vmem>> -> memref<128xi32, #tpu.memory_space<vmem>>
      %dma_wait3A_224 = arith.constant 0 : i32
      %dma_wait3A_225 = arith.constant 0 : i32
      %dma_wait3A_226 = tpu.memref_slice %arg2[%dma_wait3A_224, %dma_wait3A_225] : memref<270000x128xbf16, #tpu.memory_space<hbm>> -> memref<270000x128xbf16, #tpu.memory_space<hbm>>
      tpu.wait_indirect_dma semaphore(%arg19 : memref<!tpu.dma_semaphore, #tpu.memory_space<semaphore_mem>>) src(%dma_wait3A_226 : memref<270000x128xbf16, #tpu.memory_space<hbm>>) dst(%arg10 : memref<128x128xbf16, #tpu.memory_space<vmem>>)
      %dma_start3A_227 = arith.constant 0 : i32
      %dma_start3A_228 = tpu.memref_slice %arg7[%add3A_220, %dma_start3A_227] : memref<80x128xi32, #tpu.memory_space<vmem>> -> memref<1x128xi32, #tpu.memory_space<vmem>>
      %dma_start3A_229 = tpu.memref_squeeze %dma_start3A_228 : memref<1x128xi32, #tpu.memory_space<vmem>> -> memref<128xi32, #tpu.memory_space<vmem>>
      %dma_start3A_230 = arith.constant 0 : i32
      %dma_start3A_231 = arith.constant 0 : i32
      %dma_start3A_232 = tpu.memref_slice %arg16[%dma_start3A_230, %dma_start3A_231] : memref<10240x128xbf16, #tpu.memory_space<vmem_shared>> -> memref<10240x128xbf16, #tpu.memory_space<vmem_shared>>
      tpu.enqueue_indirect_dma source(%arg10 : memref<128x128xbf16, #tpu.memory_space<vmem>>) target(%dma_start3A_232 : memref<10240x128xbf16, #tpu.memory_space<vmem_shared>>) offsets(%dma_start3A_229 : memref<128xi32, #tpu.memory_space<vmem>>) semaphore(%arg27 : memref<!tpu.dma_semaphore, #tpu.memory_space<semaphore_mem>>) {add = true}
      %add3A_233 = arith.constant 6 : i32
      %add3A_234 = arith.addi %add3A_220, %add3A_233 : i32
      %ge3A_235 = arith.constant 2 : i32
      %ge3A_236 = arith.cmpi sge, %add3A_220, %ge3A_235 : i32
      %lt3A_237 = arith.constant 80 : i32
      %lt3A_238 = arith.cmpi slt, %add3A_234, %lt3A_237 : i32
      %and3A_239 = arith.andi %ge3A_236, %lt3A_238 : i1
      %convert_element_type3A_240 = arith.extui %and3A_239 : i1 to i32
      %cond3A_241 = arith.constant 0 : i32
      %cond3A_242 = arith.cmpi ne, %convert_element_type3A_240, %cond3A_241 : i32
      scf.if %cond3A_242 {
        %sub3A = arith.constant 2 : i32
        %sub3A_374 = arith.subi %add3A_220, %sub3A : i32
        %dma_wait3A_375 = arith.constant 0 : i32
        %dma_wait3A_376 = tpu.memref_slice %arg7[%sub3A_374, %dma_wait3A_375] : memref<80x128xi32, #tpu.memory_space<vmem>> -> memref<1x128xi32, #tpu.memory_space<vmem>>
        %dma_wait3A_377 = tpu.memref_squeeze %dma_wait3A_376 : memref<1x128xi32, #tpu.memory_space<vmem>> -> memref<128xi32, #tpu.memory_space<vmem>>
        %dma_wait3A_378 = arith.constant 0 : i32
        %dma_wait3A_379 = arith.constant 0 : i32
        %dma_wait3A_380 = tpu.memref_slice %arg16[%dma_wait3A_378, %dma_wait3A_379] : memref<10240x128xbf16, #tpu.memory_space<vmem_shared>> -> memref<10240x128xbf16, #tpu.memory_space<vmem_shared>>
        tpu.wait_indirect_dma semaphore(%arg25 : memref<!tpu.dma_semaphore, #tpu.memory_space<semaphore_mem>>) src(%arg8 : memref<128x128xbf16, #tpu.memory_space<vmem>>) dst(%dma_wait3A_380 : memref<10240x128xbf16, #tpu.memory_space<vmem_shared>>)
        %dma_start3A_381 = arith.constant 0 : i32
        %dma_start3A_382 = tpu.memref_slice %arg6[%add3A_234, %dma_start3A_381] : memref<80x128xi32, #tpu.memory_space<vmem>> -> memref<1x128xi32, #tpu.memory_space<vmem>>
        %dma_start3A_383 = tpu.memref_squeeze %dma_start3A_382 : memref<1x128xi32, #tpu.memory_space<vmem>> -> memref<128xi32, #tpu.memory_space<vmem>>
        %dma_start3A_384 = arith.constant 0 : i32
        %dma_start3A_385 = arith.constant 0 : i32
        %dma_start3A_386 = tpu.memref_slice %arg2[%dma_start3A_384, %dma_start3A_385] : memref<270000x128xbf16, #tpu.memory_space<hbm>> -> memref<270000x128xbf16, #tpu.memory_space<hbm>>
        tpu.enqueue_indirect_dma source(%dma_start3A_386 : memref<270000x128xbf16, #tpu.memory_space<hbm>>) target(%arg8 : memref<128x128xbf16, #tpu.memory_space<vmem>>) offsets(%dma_start3A_383 : memref<128xi32, #tpu.memory_space<vmem>>) semaphore(%arg17 : memref<!tpu.dma_semaphore, #tpu.memory_space<semaphore_mem>>)
      } else {
      }
      %mul3A_243 = arith.constant 8 : i32
      %mul3A_244 = arith.muli %scan3A_168, %mul3A_243 : i32
      %add3A_245 = arith.constant 3 : i32
      %add3A_246 = arith.addi %mul3A_244, %add3A_245 : i32
      %dma_wait3A_247 = arith.constant 0 : i32
      %dma_wait3A_248 = tpu.memref_slice %arg6[%add3A_246, %dma_wait3A_247] : memref<80x128xi32, #tpu.memory_space<vmem>> -> memref<1x128xi32, #tpu.memory_space<vmem>>
      %dma_wait3A_249 = tpu.memref_squeeze %dma_wait3A_248 : memref<1x128xi32, #tpu.memory_space<vmem>> -> memref<128xi32, #tpu.memory_space<vmem>>
      %dma_wait3A_250 = arith.constant 0 : i32
      %dma_wait3A_251 = arith.constant 0 : i32
      %dma_wait3A_252 = tpu.memref_slice %arg2[%dma_wait3A_250, %dma_wait3A_251] : memref<270000x128xbf16, #tpu.memory_space<hbm>> -> memref<270000x128xbf16, #tpu.memory_space<hbm>>
      tpu.wait_indirect_dma semaphore(%arg20 : memref<!tpu.dma_semaphore, #tpu.memory_space<semaphore_mem>>) src(%dma_wait3A_252 : memref<270000x128xbf16, #tpu.memory_space<hbm>>) dst(%arg11 : memref<128x128xbf16, #tpu.memory_space<vmem>>)
      %dma_start3A_253 = arith.constant 0 : i32
      %dma_start3A_254 = tpu.memref_slice %arg7[%add3A_246, %dma_start3A_253] : memref<80x128xi32, #tpu.memory_space<vmem>> -> memref<1x128xi32, #tpu.memory_space<vmem>>
      %dma_start3A_255 = tpu.memref_squeeze %dma_start3A_254 : memref<1x128xi32, #tpu.memory_space<vmem>> -> memref<128xi32, #tpu.memory_space<vmem>>
      %dma_start3A_256 = arith.constant 0 : i32
      %dma_start3A_257 = arith.constant 0 : i32
      %dma_start3A_258 = tpu.memref_slice %arg16[%dma_start3A_256, %dma_start3A_257] : memref<10240x128xbf16, #tpu.memory_space<vmem_shared>> -> memref<10240x128xbf16, #tpu.memory_space<vmem_shared>>
      tpu.enqueue_indirect_dma source(%arg11 : memref<128x128xbf16, #tpu.memory_space<vmem>>) target(%dma_start3A_258 : memref<10240x128xbf16, #tpu.memory_space<vmem_shared>>) offsets(%dma_start3A_255 : memref<128xi32, #tpu.memory_space<vmem>>) semaphore(%arg28 : memref<!tpu.dma_semaphore, #tpu.memory_space<semaphore_mem>>) {add = true}
      %add3A_259 = arith.constant 6 : i32
      %add3A_260 = arith.addi %add3A_246, %add3A_259 : i32
      %ge3A_261 = arith.constant 2 : i32
      %ge3A_262 = arith.cmpi sge, %add3A_246, %ge3A_261 : i32
      %lt3A_263 = arith.constant 80 : i32
      %lt3A_264 = arith.cmpi slt, %add3A_260, %lt3A_263 : i32
      %and3A_265 = arith.andi %ge3A_262, %lt3A_264 : i1
      %convert_element_type3A_266 = arith.extui %and3A_265 : i1 to i32
      %cond3A_267 = arith.constant 0 : i32
      %cond3A_268 = arith.cmpi ne, %convert_element_type3A_266, %cond3A_267 : i32
      scf.if %cond3A_268 {
        %sub3A = arith.constant 2 : i32
        %sub3A_374 = arith.subi %add3A_246, %sub3A : i32
        %dma_wait3A_375 = arith.constant 0 : i32
        %dma_wait3A_376 = tpu.memref_slice %arg7[%sub3A_374, %dma_wait3A_375] : memref<80x128xi32, #tpu.memory_space<vmem>> -> memref<1x128xi32, #tpu.memory_space<vmem>>
        %dma_wait3A_377 = tpu.memref_squeeze %dma_wait3A_376 : memref<1x128xi32, #tpu.memory_space<vmem>> -> memref<128xi32, #tpu.memory_space<vmem>>
        %dma_wait3A_378 = arith.constant 0 : i32
        %dma_wait3A_379 = arith.constant 0 : i32
        %dma_wait3A_380 = tpu.memref_slice %arg16[%dma_wait3A_378, %dma_wait3A_379] : memref<10240x128xbf16, #tpu.memory_space<vmem_shared>> -> memref<10240x128xbf16, #tpu.memory_space<vmem_shared>>
        tpu.wait_indirect_dma semaphore(%arg26 : memref<!tpu.dma_semaphore, #tpu.memory_space<semaphore_mem>>) src(%arg9 : memref<128x128xbf16, #tpu.memory_space<vmem>>) dst(%dma_wait3A_380 : memref<10240x128xbf16, #tpu.memory_space<vmem_shared>>)
        %dma_start3A_381 = arith.constant 0 : i32
        %dma_start3A_382 = tpu.memref_slice %arg6[%add3A_260, %dma_start3A_381] : memref<80x128xi32, #tpu.memory_space<vmem>> -> memref<1x128xi32, #tpu.memory_space<vmem>>
        %dma_start3A_383 = tpu.memref_squeeze %dma_start3A_382 : memref<1x128xi32, #tpu.memory_space<vmem>> -> memref<128xi32, #tpu.memory_space<vmem>>
        %dma_start3A_384 = arith.constant 0 : i32
        %dma_start3A_385 = arith.constant 0 : i32
        %dma_start3A_386 = tpu.memref_slice %arg2[%dma_start3A_384, %dma_start3A_385] : memref<270000x128xbf16, #tpu.memory_space<hbm>> -> memref<270000x128xbf16, #tpu.memory_space<hbm>>
        tpu.enqueue_indirect_dma source(%dma_start3A_386 : memref<270000x128xbf16, #tpu.memory_space<hbm>>) target(%arg9 : memref<128x128xbf16, #tpu.memory_space<vmem>>) offsets(%dma_start3A_383 : memref<128xi32, #tpu.memory_space<vmem>>) semaphore(%arg18 : memref<!tpu.dma_semaphore, #tpu.memory_space<semaphore_mem>>)
      } else {
      }
      %mul3A_269 = arith.constant 8 : i32
      %mul3A_270 = arith.muli %scan3A_168, %mul3A_269 : i32
      %add3A_271 = arith.constant 4 : i32
      %add3A_272 = arith.addi %mul3A_270, %add3A_271 : i32
      %dma_wait3A_273 = arith.constant 0 : i32
      %dma_wait3A_274 = tpu.memref_slice %arg6[%add3A_272, %dma_wait3A_273] : memref<80x128xi32, #tpu.memory_space<vmem>> -> memref<1x128xi32, #tpu.memory_space<vmem>>
      %dma_wait3A_275 = tpu.memref_squeeze %dma_wait3A_274 : memref<1x128xi32, #tpu.memory_space<vmem>> -> memref<128xi32, #tpu.memory_space<vmem>>
      %dma_wait3A_276 = arith.constant 0 : i32
      %dma_wait3A_277 = arith.constant 0 : i32
      %dma_wait3A_278 = tpu.memref_slice %arg2[%dma_wait3A_276, %dma_wait3A_277] : memref<270000x128xbf16, #tpu.memory_space<hbm>> -> memref<270000x128xbf16, #tpu.memory_space<hbm>>
      tpu.wait_indirect_dma semaphore(%arg21 : memref<!tpu.dma_semaphore, #tpu.memory_space<semaphore_mem>>) src(%dma_wait3A_278 : memref<270000x128xbf16, #tpu.memory_space<hbm>>) dst(%arg12 : memref<128x128xbf16, #tpu.memory_space<vmem>>)
      %dma_start3A_279 = arith.constant 0 : i32
      %dma_start3A_280 = tpu.memref_slice %arg7[%add3A_272, %dma_start3A_279] : memref<80x128xi32, #tpu.memory_space<vmem>> -> memref<1x128xi32, #tpu.memory_space<vmem>>
      %dma_start3A_281 = tpu.memref_squeeze %dma_start3A_280 : memref<1x128xi32, #tpu.memory_space<vmem>> -> memref<128xi32, #tpu.memory_space<vmem>>
      %dma_start3A_282 = arith.constant 0 : i32
      %dma_start3A_283 = arith.constant 0 : i32
      %dma_start3A_284 = tpu.memref_slice %arg16[%dma_start3A_282, %dma_start3A_283] : memref<10240x128xbf16, #tpu.memory_space<vmem_shared>> -> memref<10240x128xbf16, #tpu.memory_space<vmem_shared>>
      tpu.enqueue_indirect_dma source(%arg12 : memref<128x128xbf16, #tpu.memory_space<vmem>>) target(%dma_start3A_284 : memref<10240x128xbf16, #tpu.memory_space<vmem_shared>>) offsets(%dma_start3A_281 : memref<128xi32, #tpu.memory_space<vmem>>) semaphore(%arg29 : memref<!tpu.dma_semaphore, #tpu.memory_space<semaphore_mem>>) {add = true}
      %add3A_285 = arith.constant 6 : i32
      %add3A_286 = arith.addi %add3A_272, %add3A_285 : i32
      %ge3A_287 = arith.constant 2 : i32
      %ge3A_288 = arith.cmpi sge, %add3A_272, %ge3A_287 : i32
      %lt3A_289 = arith.constant 80 : i32
      %lt3A_290 = arith.cmpi slt, %add3A_286, %lt3A_289 : i32
      %and3A_291 = arith.andi %ge3A_288, %lt3A_290 : i1
      %convert_element_type3A_292 = arith.extui %and3A_291 : i1 to i32
      %cond3A_293 = arith.constant 0 : i32
      %cond3A_294 = arith.cmpi ne, %convert_element_type3A_292, %cond3A_293 : i32
      scf.if %cond3A_294 {
        %sub3A = arith.constant 2 : i32
        %sub3A_374 = arith.subi %add3A_272, %sub3A : i32
        %dma_wait3A_375 = arith.constant 0 : i32
        %dma_wait3A_376 = tpu.memref_slice %arg7[%sub3A_374, %dma_wait3A_375] : memref<80x128xi32, #tpu.memory_space<vmem>> -> memref<1x128xi32, #tpu.memory_space<vmem>>
        %dma_wait3A_377 = tpu.memref_squeeze %dma_wait3A_376 : memref<1x128xi32, #tpu.memory_space<vmem>> -> memref<128xi32, #tpu.memory_space<vmem>>
        %dma_wait3A_378 = arith.constant 0 : i32
        %dma_wait3A_379 = arith.constant 0 : i32
        %dma_wait3A_380 = tpu.memref_slice %arg16[%dma_wait3A_378, %dma_wait3A_379] : memref<10240x128xbf16, #tpu.memory_space<vmem_shared>> -> memref<10240x128xbf16, #tpu.memory_space<vmem_shared>>
        tpu.wait_indirect_dma semaphore(%arg27 : memref<!tpu.dma_semaphore, #tpu.memory_space<semaphore_mem>>) src(%arg10 : memref<128x128xbf16, #tpu.memory_space<vmem>>) dst(%dma_wait3A_380 : memref<10240x128xbf16, #tpu.memory_space<vmem_shared>>)
        %dma_start3A_381 = arith.constant 0 : i32
        %dma_start3A_382 = tpu.memref_slice %arg6[%add3A_286, %dma_start3A_381] : memref<80x128xi32, #tpu.memory_space<vmem>> -> memref<1x128xi32, #tpu.memory_space<vmem>>
        %dma_start3A_383 = tpu.memref_squeeze %dma_start3A_382 : memref<1x128xi32, #tpu.memory_space<vmem>> -> memref<128xi32, #tpu.memory_space<vmem>>
        %dma_start3A_384 = arith.constant 0 : i32
        %dma_start3A_385 = arith.constant 0 : i32
        %dma_start3A_386 = tpu.memref_slice %arg2[%dma_start3A_384, %dma_start3A_385] : memref<270000x128xbf16, #tpu.memory_space<hbm>> -> memref<270000x128xbf16, #tpu.memory_space<hbm>>
        tpu.enqueue_indirect_dma source(%dma_start3A_386 : memref<270000x128xbf16, #tpu.memory_space<hbm>>) target(%arg10 : memref<128x128xbf16, #tpu.memory_space<vmem>>) offsets(%dma_start3A_383 : memref<128xi32, #tpu.memory_space<vmem>>) semaphore(%arg19 : memref<!tpu.dma_semaphore, #tpu.memory_space<semaphore_mem>>)
      } else {
      }
      %mul3A_295 = arith.constant 8 : i32
      %mul3A_296 = arith.muli %scan3A_168, %mul3A_295 : i32
      %add3A_297 = arith.constant 5 : i32
      %add3A_298 = arith.addi %mul3A_296, %add3A_297 : i32
      %dma_wait3A_299 = arith.constant 0 : i32
      %dma_wait3A_300 = tpu.memref_slice %arg6[%add3A_298, %dma_wait3A_299] : memref<80x128xi32, #tpu.memory_space<vmem>> -> memref<1x128xi32, #tpu.memory_space<vmem>>
      %dma_wait3A_301 = tpu.memref_squeeze %dma_wait3A_300 : memref<1x128xi32, #tpu.memory_space<vmem>> -> memref<128xi32, #tpu.memory_space<vmem>>
      %dma_wait3A_302 = arith.constant 0 : i32
      %dma_wait3A_303 = arith.constant 0 : i32
      %dma_wait3A_304 = tpu.memref_slice %arg2[%dma_wait3A_302, %dma_wait3A_303] : memref<270000x128xbf16, #tpu.memory_space<hbm>> -> memref<270000x128xbf16, #tpu.memory_space<hbm>>
      tpu.wait_indirect_dma semaphore(%arg22 : memref<!tpu.dma_semaphore, #tpu.memory_space<semaphore_mem>>) src(%dma_wait3A_304 : memref<270000x128xbf16, #tpu.memory_space<hbm>>) dst(%arg13 : memref<128x128xbf16, #tpu.memory_space<vmem>>)
      %dma_start3A_305 = arith.constant 0 : i32
      %dma_start3A_306 = tpu.memref_slice %arg7[%add3A_298, %dma_start3A_305] : memref<80x128xi32, #tpu.memory_space<vmem>> -> memref<1x128xi32, #tpu.memory_space<vmem>>
      %dma_start3A_307 = tpu.memref_squeeze %dma_start3A_306 : memref<1x128xi32, #tpu.memory_space<vmem>> -> memref<128xi32, #tpu.memory_space<vmem>>
      %dma_start3A_308 = arith.constant 0 : i32
      %dma_start3A_309 = arith.constant 0 : i32
      %dma_start3A_310 = tpu.memref_slice %arg16[%dma_start3A_308, %dma_start3A_309] : memref<10240x128xbf16, #tpu.memory_space<vmem_shared>> -> memref<10240x128xbf16, #tpu.memory_space<vmem_shared>>
      tpu.enqueue_indirect_dma source(%arg13 : memref<128x128xbf16, #tpu.memory_space<vmem>>) target(%dma_start3A_310 : memref<10240x128xbf16, #tpu.memory_space<vmem_shared>>) offsets(%dma_start3A_307 : memref<128xi32, #tpu.memory_space<vmem>>) semaphore(%arg30 : memref<!tpu.dma_semaphore, #tpu.memory_space<semaphore_mem>>) {add = true}
      %add3A_311 = arith.constant 6 : i32
      %add3A_312 = arith.addi %add3A_298, %add3A_311 : i32
      %ge3A_313 = arith.constant 2 : i32
      %ge3A_314 = arith.cmpi sge, %add3A_298, %ge3A_313 : i32
      %lt3A_315 = arith.constant 80 : i32
      %lt3A_316 = arith.cmpi slt, %add3A_312, %lt3A_315 : i32
      %and3A_317 = arith.andi %ge3A_314, %lt3A_316 : i1
      %convert_element_type3A_318 = arith.extui %and3A_317 : i1 to i32
      %cond3A_319 = arith.constant 0 : i32
      %cond3A_320 = arith.cmpi ne, %convert_element_type3A_318, %cond3A_319 : i32
      scf.if %cond3A_320 {
        %sub3A = arith.constant 2 : i32
        %sub3A_374 = arith.subi %add3A_298, %sub3A : i32
        %dma_wait3A_375 = arith.constant 0 : i32
        %dma_wait3A_376 = tpu.memref_slice %arg7[%sub3A_374, %dma_wait3A_375] : memref<80x128xi32, #tpu.memory_space<vmem>> -> memref<1x128xi32, #tpu.memory_space<vmem>>
        %dma_wait3A_377 = tpu.memref_squeeze %dma_wait3A_376 : memref<1x128xi32, #tpu.memory_space<vmem>> -> memref<128xi32, #tpu.memory_space<vmem>>
        %dma_wait3A_378 = arith.constant 0 : i32
        %dma_wait3A_379 = arith.constant 0 : i32
        %dma_wait3A_380 = tpu.memref_slice %arg16[%dma_wait3A_378, %dma_wait3A_379] : memref<10240x128xbf16, #tpu.memory_space<vmem_shared>> -> memref<10240x128xbf16, #tpu.memory_space<vmem_shared>>
        tpu.wait_indirect_dma semaphore(%arg28 : memref<!tpu.dma_semaphore, #tpu.memory_space<semaphore_mem>>) src(%arg11 : memref<128x128xbf16, #tpu.memory_space<vmem>>) dst(%dma_wait3A_380 : memref<10240x128xbf16, #tpu.memory_space<vmem_shared>>)
        %dma_start3A_381 = arith.constant 0 : i32
        %dma_start3A_382 = tpu.memref_slice %arg6[%add3A_312, %dma_start3A_381] : memref<80x128xi32, #tpu.memory_space<vmem>> -> memref<1x128xi32, #tpu.memory_space<vmem>>
        %dma_start3A_383 = tpu.memref_squeeze %dma_start3A_382 : memref<1x128xi32, #tpu.memory_space<vmem>> -> memref<128xi32, #tpu.memory_space<vmem>>
        %dma_start3A_384 = arith.constant 0 : i32
        %dma_start3A_385 = arith.constant 0 : i32
        %dma_start3A_386 = tpu.memref_slice %arg2[%dma_start3A_384, %dma_start3A_385] : memref<270000x128xbf16, #tpu.memory_space<hbm>> -> memref<270000x128xbf16, #tpu.memory_space<hbm>>
        tpu.enqueue_indirect_dma source(%dma_start3A_386 : memref<270000x128xbf16, #tpu.memory_space<hbm>>) target(%arg11 : memref<128x128xbf16, #tpu.memory_space<vmem>>) offsets(%dma_start3A_383 : memref<128xi32, #tpu.memory_space<vmem>>) semaphore(%arg20 : memref<!tpu.dma_semaphore, #tpu.memory_space<semaphore_mem>>)
      } else {
      }
      %mul3A_321 = arith.constant 8 : i32
      %mul3A_322 = arith.muli %scan3A_168, %mul3A_321 : i32
      %add3A_323 = arith.constant 6 : i32
      %add3A_324 = arith.addi %mul3A_322, %add3A_323 : i32
      %dma_wait3A_325 = arith.constant 0 : i32
      %dma_wait3A_326 = tpu.memref_slice %arg6[%add3A_324, %dma_wait3A_325] : memref<80x128xi32, #tpu.memory_space<vmem>> -> memref<1x128xi32, #tpu.memory_space<vmem>>
      %dma_wait3A_327 = tpu.memref_squeeze %dma_wait3A_326 : memref<1x128xi32, #tpu.memory_space<vmem>> -> memref<128xi32, #tpu.memory_space<vmem>>
      %dma_wait3A_328 = arith.constant 0 : i32
      %dma_wait3A_329 = arith.constant 0 : i32
      %dma_wait3A_330 = tpu.memref_slice %arg2[%dma_wait3A_328, %dma_wait3A_329] : memref<270000x128xbf16, #tpu.memory_space<hbm>> -> memref<270000x128xbf16, #tpu.memory_space<hbm>>
      tpu.wait_indirect_dma semaphore(%arg23 : memref<!tpu.dma_semaphore, #tpu.memory_space<semaphore_mem>>) src(%dma_wait3A_330 : memref<270000x128xbf16, #tpu.memory_space<hbm>>) dst(%arg14 : memref<128x128xbf16, #tpu.memory_space<vmem>>)
      %dma_start3A_331 = arith.constant 0 : i32
      %dma_start3A_332 = tpu.memref_slice %arg7[%add3A_324, %dma_start3A_331] : memref<80x128xi32, #tpu.memory_space<vmem>> -> memref<1x128xi32, #tpu.memory_space<vmem>>
      %dma_start3A_333 = tpu.memref_squeeze %dma_start3A_332 : memref<1x128xi32, #tpu.memory_space<vmem>> -> memref<128xi32, #tpu.memory_space<vmem>>
      %dma_start3A_334 = arith.constant 0 : i32
      %dma_start3A_335 = arith.constant 0 : i32
      %dma_start3A_336 = tpu.memref_slice %arg16[%dma_start3A_334, %dma_start3A_335] : memref<10240x128xbf16, #tpu.memory_space<vmem_shared>> -> memref<10240x128xbf16, #tpu.memory_space<vmem_shared>>
      tpu.enqueue_indirect_dma source(%arg14 : memref<128x128xbf16, #tpu.memory_space<vmem>>) target(%dma_start3A_336 : memref<10240x128xbf16, #tpu.memory_space<vmem_shared>>) offsets(%dma_start3A_333 : memref<128xi32, #tpu.memory_space<vmem>>) semaphore(%arg31 : memref<!tpu.dma_semaphore, #tpu.memory_space<semaphore_mem>>) {add = true}
      %add3A_337 = arith.constant 6 : i32
      %add3A_338 = arith.addi %add3A_324, %add3A_337 : i32
      %ge3A_339 = arith.constant 2 : i32
      %ge3A_340 = arith.cmpi sge, %add3A_324, %ge3A_339 : i32
      %lt3A_341 = arith.constant 80 : i32
      %lt3A_342 = arith.cmpi slt, %add3A_338, %lt3A_341 : i32
      %and3A_343 = arith.andi %ge3A_340, %lt3A_342 : i1
      %convert_element_type3A_344 = arith.extui %and3A_343 : i1 to i32
      %cond3A_345 = arith.constant 0 : i32
      %cond3A_346 = arith.cmpi ne, %convert_element_type3A_344, %cond3A_345 : i32
      scf.if %cond3A_346 {
        %sub3A = arith.constant 2 : i32
        %sub3A_374 = arith.subi %add3A_324, %sub3A : i32
        %dma_wait3A_375 = arith.constant 0 : i32
        %dma_wait3A_376 = tpu.memref_slice %arg7[%sub3A_374, %dma_wait3A_375] : memref<80x128xi32, #tpu.memory_space<vmem>> -> memref<1x128xi32, #tpu.memory_space<vmem>>
        %dma_wait3A_377 = tpu.memref_squeeze %dma_wait3A_376 : memref<1x128xi32, #tpu.memory_space<vmem>> -> memref<128xi32, #tpu.memory_space<vmem>>
        %dma_wait3A_378 = arith.constant 0 : i32
        %dma_wait3A_379 = arith.constant 0 : i32
        %dma_wait3A_380 = tpu.memref_slice %arg16[%dma_wait3A_378, %dma_wait3A_379] : memref<10240x128xbf16, #tpu.memory_space<vmem_shared>> -> memref<10240x128xbf16, #tpu.memory_space<vmem_shared>>
        tpu.wait_indirect_dma semaphore(%arg29 : memref<!tpu.dma_semaphore, #tpu.memory_space<semaphore_mem>>) src(%arg12 : memref<128x128xbf16, #tpu.memory_space<vmem>>) dst(%dma_wait3A_380 : memref<10240x128xbf16, #tpu.memory_space<vmem_shared>>)
        %dma_start3A_381 = arith.constant 0 : i32
        %dma_start3A_382 = tpu.memref_slice %arg6[%add3A_338, %dma_start3A_381] : memref<80x128xi32, #tpu.memory_space<vmem>> -> memref<1x128xi32, #tpu.memory_space<vmem>>
        %dma_start3A_383 = tpu.memref_squeeze %dma_start3A_382 : memref<1x128xi32, #tpu.memory_space<vmem>> -> memref<128xi32, #tpu.memory_space<vmem>>
        %dma_start3A_384 = arith.constant 0 : i32
        %dma_start3A_385 = arith.constant 0 : i32
        %dma_start3A_386 = tpu.memref_slice %arg2[%dma_start3A_384, %dma_start3A_385] : memref<270000x128xbf16, #tpu.memory_space<hbm>> -> memref<270000x128xbf16, #tpu.memory_space<hbm>>
        tpu.enqueue_indirect_dma source(%dma_start3A_386 : memref<270000x128xbf16, #tpu.memory_space<hbm>>) target(%arg12 : memref<128x128xbf16, #tpu.memory_space<vmem>>) offsets(%dma_start3A_383 : memref<128xi32, #tpu.memory_space<vmem>>) semaphore(%arg21 : memref<!tpu.dma_semaphore, #tpu.memory_space<semaphore_mem>>)
      } else {
      }
      %mul3A_347 = arith.constant 8 : i32
      %mul3A_348 = arith.muli %scan3A_168, %mul3A_347 : i32
      %add3A_349 = arith.constant 7 : i32
      %add3A_350 = arith.addi %mul3A_348, %add3A_349 : i32
      %dma_wait3A_351 = arith.constant 0 : i32
      %dma_wait3A_352 = tpu.memref_slice %arg6[%add3A_350, %dma_wait3A_351] : memref<80x128xi32, #tpu.memory_space<vmem>> -> memref<1x128xi32, #tpu.memory_space<vmem>>
      %dma_wait3A_353 = tpu.memref_squeeze %dma_wait3A_352 : memref<1x128xi32, #tpu.memory_space<vmem>> -> memref<128xi32, #tpu.memory_space<vmem>>
      %dma_wait3A_354 = arith.constant 0 : i32
      %dma_wait3A_355 = arith.constant 0 : i32
      %dma_wait3A_356 = tpu.memref_slice %arg2[%dma_wait3A_354, %dma_wait3A_355] : memref<270000x128xbf16, #tpu.memory_space<hbm>> -> memref<270000x128xbf16, #tpu.memory_space<hbm>>
      tpu.wait_indirect_dma semaphore(%arg24 : memref<!tpu.dma_semaphore, #tpu.memory_space<semaphore_mem>>) src(%dma_wait3A_356 : memref<270000x128xbf16, #tpu.memory_space<hbm>>) dst(%arg15 : memref<128x128xbf16, #tpu.memory_space<vmem>>)
      %dma_start3A_357 = arith.constant 0 : i32
      %dma_start3A_358 = tpu.memref_slice %arg7[%add3A_350, %dma_start3A_357] : memref<80x128xi32, #tpu.memory_space<vmem>> -> memref<1x128xi32, #tpu.memory_space<vmem>>
      %dma_start3A_359 = tpu.memref_squeeze %dma_start3A_358 : memref<1x128xi32, #tpu.memory_space<vmem>> -> memref<128xi32, #tpu.memory_space<vmem>>
      %dma_start3A_360 = arith.constant 0 : i32
      %dma_start3A_361 = arith.constant 0 : i32
      %dma_start3A_362 = tpu.memref_slice %arg16[%dma_start3A_360, %dma_start3A_361] : memref<10240x128xbf16, #tpu.memory_space<vmem_shared>> -> memref<10240x128xbf16, #tpu.memory_space<vmem_shared>>
      tpu.enqueue_indirect_dma source(%arg15 : memref<128x128xbf16, #tpu.memory_space<vmem>>) target(%dma_start3A_362 : memref<10240x128xbf16, #tpu.memory_space<vmem_shared>>) offsets(%dma_start3A_359 : memref<128xi32, #tpu.memory_space<vmem>>) semaphore(%arg32 : memref<!tpu.dma_semaphore, #tpu.memory_space<semaphore_mem>>) {add = true}
      %add3A_363 = arith.constant 6 : i32
      %add3A_364 = arith.addi %add3A_350, %add3A_363 : i32
      %ge3A_365 = arith.constant 2 : i32
      %ge3A_366 = arith.cmpi sge, %add3A_350, %ge3A_365 : i32
      %lt3A_367 = arith.constant 80 : i32
      %lt3A_368 = arith.cmpi slt, %add3A_364, %lt3A_367 : i32
      %and3A_369 = arith.andi %ge3A_366, %lt3A_368 : i1
      %convert_element_type3A_370 = arith.extui %and3A_369 : i1 to i32
      %cond3A_371 = arith.constant 0 : i32
      %cond3A_372 = arith.cmpi ne, %convert_element_type3A_370, %cond3A_371 : i32
      scf.if %cond3A_372 {
        %sub3A = arith.constant 2 : i32
        %sub3A_374 = arith.subi %add3A_350, %sub3A : i32
        %dma_wait3A_375 = arith.constant 0 : i32
        %dma_wait3A_376 = tpu.memref_slice %arg7[%sub3A_374, %dma_wait3A_375] : memref<80x128xi32, #tpu.memory_space<vmem>> -> memref<1x128xi32, #tpu.memory_space<vmem>>
        %dma_wait3A_377 = tpu.memref_squeeze %dma_wait3A_376 : memref<1x128xi32, #tpu.memory_space<vmem>> -> memref<128xi32, #tpu.memory_space<vmem>>
        %dma_wait3A_378 = arith.constant 0 : i32
        %dma_wait3A_379 = arith.constant 0 : i32
        %dma_wait3A_380 = tpu.memref_slice %arg16[%dma_wait3A_378, %dma_wait3A_379] : memref<10240x128xbf16, #tpu.memory_space<vmem_shared>> -> memref<10240x128xbf16, #tpu.memory_space<vmem_shared>>
        tpu.wait_indirect_dma semaphore(%arg30 : memref<!tpu.dma_semaphore, #tpu.memory_space<semaphore_mem>>) src(%arg13 : memref<128x128xbf16, #tpu.memory_space<vmem>>) dst(%dma_wait3A_380 : memref<10240x128xbf16, #tpu.memory_space<vmem_shared>>)
        %dma_start3A_381 = arith.constant 0 : i32
        %dma_start3A_382 = tpu.memref_slice %arg6[%add3A_364, %dma_start3A_381] : memref<80x128xi32, #tpu.memory_space<vmem>> -> memref<1x128xi32, #tpu.memory_space<vmem>>
        %dma_start3A_383 = tpu.memref_squeeze %dma_start3A_382 : memref<1x128xi32, #tpu.memory_space<vmem>> -> memref<128xi32, #tpu.memory_space<vmem>>
        %dma_start3A_384 = arith.constant 0 : i32
        %dma_start3A_385 = arith.constant 0 : i32
        %dma_start3A_386 = tpu.memref_slice %arg2[%dma_start3A_384, %dma_start3A_385] : memref<270000x128xbf16, #tpu.memory_space<hbm>> -> memref<270000x128xbf16, #tpu.memory_space<hbm>>
        tpu.enqueue_indirect_dma source(%dma_start3A_386 : memref<270000x128xbf16, #tpu.memory_space<hbm>>) target(%arg13 : memref<128x128xbf16, #tpu.memory_space<vmem>>) offsets(%dma_start3A_383 : memref<128xi32, #tpu.memory_space<vmem>>) semaphore(%arg22 : memref<!tpu.dma_semaphore, #tpu.memory_space<semaphore_mem>>)
      } else {
      }
      %scan3A_373 = arith.constant 0 : i32
      scf.yield %scan3A_373 : i32
    }
    %scan3A_106 = arith.constant 10 : i32
    %dma_wait3A_107 = arith.constant 0 : i32
    %dma_wait3A_108 = arith.constant 0 : i32
    %dma_wait3A_109 = tpu.memref_slice %arg7[%dma_wait3A_107, %dma_wait3A_108] : memref<80x128xi32, #tpu.memory_space<vmem>> -> memref<1x128xi32, #tpu.memory_space<vmem>>
    %dma_wait3A_110 = tpu.memref_squeeze %dma_wait3A_109 : memref<1x128xi32, #tpu.memory_space<vmem>> -> memref<128xi32, #tpu.memory_space<vmem>>
    %dma_wait3A_111 = arith.constant 0 : i32
    %dma_wait3A_112 = arith.constant 0 : i32
    %dma_wait3A_113 = tpu.memref_slice %arg16[%dma_wait3A_111, %dma_wait3A_112] : memref<10240x128xbf16, #tpu.memory_space<vmem_shared>> -> memref<10240x128xbf16, #tpu.memory_space<vmem_shared>>
    tpu.wait_indirect_dma semaphore(%arg25 : memref<!tpu.dma_semaphore, #tpu.memory_space<semaphore_mem>>) src(%arg8 : memref<128x128xbf16, #tpu.memory_space<vmem>>) dst(%dma_wait3A_113 : memref<10240x128xbf16, #tpu.memory_space<vmem_shared>>)
    %dma_wait3A_114 = arith.constant 0 : i32
    %dma_wait3A_115 = arith.constant 0 : i32
    %dma_wait3A_116 = tpu.memref_slice %arg7[%dma_wait3A_114, %dma_wait3A_115] : memref<80x128xi32, #tpu.memory_space<vmem>> -> memref<1x128xi32, #tpu.memory_space<vmem>>
    %dma_wait3A_117 = tpu.memref_squeeze %dma_wait3A_116 : memref<1x128xi32, #tpu.memory_space<vmem>> -> memref<128xi32, #tpu.memory_space<vmem>>
    %dma_wait3A_118 = arith.constant 0 : i32
    %dma_wait3A_119 = arith.constant 0 : i32
    %dma_wait3A_120 = tpu.memref_slice %arg16[%dma_wait3A_118, %dma_wait3A_119] : memref<10240x128xbf16, #tpu.memory_space<vmem_shared>> -> memref<10240x128xbf16, #tpu.memory_space<vmem_shared>>
    tpu.wait_indirect_dma semaphore(%arg26 : memref<!tpu.dma_semaphore, #tpu.memory_space<semaphore_mem>>) src(%arg9 : memref<128x128xbf16, #tpu.memory_space<vmem>>) dst(%dma_wait3A_120 : memref<10240x128xbf16, #tpu.memory_space<vmem_shared>>)
    %dma_wait3A_121 = arith.constant 0 : i32
    %dma_wait3A_122 = arith.constant 0 : i32
    %dma_wait3A_123 = tpu.memref_slice %arg7[%dma_wait3A_121, %dma_wait3A_122] : memref<80x128xi32, #tpu.memory_space<vmem>> -> memref<1x128xi32, #tpu.memory_space<vmem>>
    %dma_wait3A_124 = tpu.memref_squeeze %dma_wait3A_123 : memref<1x128xi32, #tpu.memory_space<vmem>> -> memref<128xi32, #tpu.memory_space<vmem>>
    %dma_wait3A_125 = arith.constant 0 : i32
    %dma_wait3A_126 = arith.constant 0 : i32
    %dma_wait3A_127 = tpu.memref_slice %arg16[%dma_wait3A_125, %dma_wait3A_126] : memref<10240x128xbf16, #tpu.memory_space<vmem_shared>> -> memref<10240x128xbf16, #tpu.memory_space<vmem_shared>>
    tpu.wait_indirect_dma semaphore(%arg27 : memref<!tpu.dma_semaphore, #tpu.memory_space<semaphore_mem>>) src(%arg10 : memref<128x128xbf16, #tpu.memory_space<vmem>>) dst(%dma_wait3A_127 : memref<10240x128xbf16, #tpu.memory_space<vmem_shared>>)
    %dma_wait3A_128 = arith.constant 0 : i32
    %dma_wait3A_129 = arith.constant 0 : i32
    %dma_wait3A_130 = tpu.memref_slice %arg7[%dma_wait3A_128, %dma_wait3A_129] : memref<80x128xi32, #tpu.memory_space<vmem>> -> memref<1x128xi32, #tpu.memory_space<vmem>>
    %dma_wait3A_131 = tpu.memref_squeeze %dma_wait3A_130 : memref<1x128xi32, #tpu.memory_space<vmem>> -> memref<128xi32, #tpu.memory_space<vmem>>
    %dma_wait3A_132 = arith.constant 0 : i32
    %dma_wait3A_133 = arith.constant 0 : i32
    %dma_wait3A_134 = tpu.memref_slice %arg16[%dma_wait3A_132, %dma_wait3A_133] : memref<10240x128xbf16, #tpu.memory_space<vmem_shared>> -> memref<10240x128xbf16, #tpu.memory_space<vmem_shared>>
    tpu.wait_indirect_dma semaphore(%arg28 : memref<!tpu.dma_semaphore, #tpu.memory_space<semaphore_mem>>) src(%arg11 : memref<128x128xbf16, #tpu.memory_space<vmem>>) dst(%dma_wait3A_134 : memref<10240x128xbf16, #tpu.memory_space<vmem_shared>>)
    %dma_wait3A_135 = arith.constant 0 : i32
    %dma_wait3A_136 = arith.constant 0 : i32
    %dma_wait3A_137 = tpu.memref_slice %arg7[%dma_wait3A_135, %dma_wait3A_136] : memref<80x128xi32, #tpu.memory_space<vmem>> -> memref<1x128xi32, #tpu.memory_space<vmem>>
    %dma_wait3A_138 = tpu.memref_squeeze %dma_wait3A_137 : memref<1x128xi32, #tpu.memory_space<vmem>> -> memref<128xi32, #tpu.memory_space<vmem>>
    %dma_wait3A_139 = arith.constant 0 : i32
    %dma_wait3A_140 = arith.constant 0 : i32
    %dma_wait3A_141 = tpu.memref_slice %arg16[%dma_wait3A_139, %dma_wait3A_140] : memref<10240x128xbf16, #tpu.memory_space<vmem_shared>> -> memref<10240x128xbf16, #tpu.memory_space<vmem_shared>>
    tpu.wait_indirect_dma semaphore(%arg29 : memref<!tpu.dma_semaphore, #tpu.memory_space<semaphore_mem>>) src(%arg12 : memref<128x128xbf16, #tpu.memory_space<vmem>>) dst(%dma_wait3A_141 : memref<10240x128xbf16, #tpu.memory_space<vmem_shared>>)
    %dma_wait3A_142 = arith.constant 0 : i32
    %dma_wait3A_143 = arith.constant 0 : i32
    %dma_wait3A_144 = tpu.memref_slice %arg7[%dma_wait3A_142, %dma_wait3A_143] : memref<80x128xi32, #tpu.memory_space<vmem>> -> memref<1x128xi32, #tpu.memory_space<vmem>>
    %dma_wait3A_145 = tpu.memref_squeeze %dma_wait3A_144 : memref<1x128xi32, #tpu.memory_space<vmem>> -> memref<128xi32, #tpu.memory_space<vmem>>
    %dma_wait3A_146 = arith.constant 0 : i32
    %dma_wait3A_147 = arith.constant 0 : i32
    %dma_wait3A_148 = tpu.memref_slice %arg16[%dma_wait3A_146, %dma_wait3A_147] : memref<10240x128xbf16, #tpu.memory_space<vmem_shared>> -> memref<10240x128xbf16, #tpu.memory_space<vmem_shared>>
    tpu.wait_indirect_dma semaphore(%arg30 : memref<!tpu.dma_semaphore, #tpu.memory_space<semaphore_mem>>) src(%arg13 : memref<128x128xbf16, #tpu.memory_space<vmem>>) dst(%dma_wait3A_148 : memref<10240x128xbf16, #tpu.memory_space<vmem_shared>>)
    %dma_wait3A_149 = arith.constant 0 : i32
    %dma_wait3A_150 = arith.constant 0 : i32
    %dma_wait3A_151 = tpu.memref_slice %arg7[%dma_wait3A_149, %dma_wait3A_150] : memref<80x128xi32, #tpu.memory_space<vmem>> -> memref<1x128xi32, #tpu.memory_space<vmem>>
    %dma_wait3A_152 = tpu.memref_squeeze %dma_wait3A_151 : memref<1x128xi32, #tpu.memory_space<vmem>> -> memref<128xi32, #tpu.memory_space<vmem>>
    %dma_wait3A_153 = arith.constant 0 : i32
    %dma_wait3A_154 = arith.constant 0 : i32
    %dma_wait3A_155 = tpu.memref_slice %arg16[%dma_wait3A_153, %dma_wait3A_154] : memref<10240x128xbf16, #tpu.memory_space<vmem_shared>> -> memref<10240x128xbf16, #tpu.memory_space<vmem_shared>>
    tpu.wait_indirect_dma semaphore(%arg31 : memref<!tpu.dma_semaphore, #tpu.memory_space<semaphore_mem>>) src(%arg14 : memref<128x128xbf16, #tpu.memory_space<vmem>>) dst(%dma_wait3A_155 : memref<10240x128xbf16, #tpu.memory_space<vmem_shared>>)
    %dma_wait3A_156 = arith.constant 0 : i32
    %dma_wait3A_157 = arith.constant 0 : i32
    %dma_wait3A_158 = tpu.memref_slice %arg7[%dma_wait3A_156, %dma_wait3A_157] : memref<80x128xi32, #tpu.memory_space<vmem>> -> memref<1x128xi32, #tpu.memory_space<vmem>>
    %dma_wait3A_159 = tpu.memref_squeeze %dma_wait3A_158 : memref<1x128xi32, #tpu.memory_space<vmem>> -> memref<128xi32, #tpu.memory_space<vmem>>
    %dma_wait3A_160 = arith.constant 0 : i32
    %dma_wait3A_161 = arith.constant 0 : i32
    %dma_wait3A_162 = tpu.memref_slice %arg16[%dma_wait3A_160, %dma_wait3A_161] : memref<10240x128xbf16, #tpu.memory_space<vmem_shared>> -> memref<10240x128xbf16, #tpu.memory_space<vmem_shared>>
    tpu.wait_indirect_dma semaphore(%arg32 : memref<!tpu.dma_semaphore, #tpu.memory_space<semaphore_mem>>) src(%arg15 : memref<128x128xbf16, #tpu.memory_space<vmem>>) dst(%dma_wait3A_162 : memref<10240x128xbf16, #tpu.memory_space<vmem_shared>>)
    %barrier3A_163 = arith.constant 0 : index
    tpu.barrier barrier_id(%barrier3A_163)
    %mul3A_164 = arith.constant 640 : i32
    %mul3A_165 = arith.muli %arg1, %mul3A_164 : i32
    %mul3A_166 = arith.constant 640 : i32
    %mul3A_167 = arith.muli %arg1, %mul3A_166 : i32
    "tpu.region"() ({
      %run_scoped3A = tpu.sem_alloc : memref<!tpu.dma_semaphore, #tpu.memory_space<semaphore_mem>>
      %dma_start3A_168 = arith.constant 0 : i32
      %dma_start3A_169 = tpu.memref_slice %arg5[%arg0, %mul3A_167, %dma_start3A_168] : memref<2x10240x128xbf16, #tpu.memory_space<hbm>> -> memref<1x640x128xbf16, #tpu.memory_space<hbm>>
      %dma_start3A_170 = tpu.memref_squeeze %dma_start3A_169 : memref<1x640x128xbf16, #tpu.memory_space<hbm>> -> memref<640x128xbf16, #tpu.memory_space<hbm>>
      %dma_start3A_171 = arith.constant 0 : i32
      %dma_start3A_172 = tpu.memref_slice %arg16[%mul3A_165, %dma_start3A_171] : memref<10240x128xbf16, #tpu.memory_space<vmem_shared>> -> memref<640x128xbf16, #tpu.memory_space<vmem_shared>>
      tpu.enqueue_dma source(%dma_start3A_172 : memref<640x128xbf16, #tpu.memory_space<vmem_shared>>) target(%dma_start3A_170 : memref<640x128xbf16, #tpu.memory_space<hbm>>) target_semaphore(%run_scoped3A : memref<!tpu.dma_semaphore, #tpu.memory_space<semaphore_mem>>)
      %dma_wait3A_173 = arith.constant 0 : i32
      %dma_wait3A_174 = tpu.memref_slice %arg5[%arg0, %mul3A_167, %dma_wait3A_173] : memref<2x10240x128xbf16, #tpu.memory_space<hbm>> -> memref<1x640x128xbf16, #tpu.memory_space<hbm>>
      %dma_wait3A_175 = tpu.memref_squeeze %dma_wait3A_174 : memref<1x640x128xbf16, #tpu.memory_space<hbm>> -> memref<640x128xbf16, #tpu.memory_space<hbm>>
      %dma_wait3A_176 = arith.constant 0 : i32
      %dma_wait3A_177 = tpu.memref_slice %arg16[%mul3A_165, %dma_wait3A_176] : memref<10240x128xbf16, #tpu.memory_space<vmem_shared>> -> memref<640x128xbf16, #tpu.memory_space<vmem_shared>>
      tpu.wait_dma2 semaphore(%run_scoped3A : memref<!tpu.dma_semaphore, #tpu.memory_space<semaphore_mem>>) src(%dma_wait3A_177 : memref<640x128xbf16, #tpu.memory_space<vmem_shared>>) dst(%dma_wait3A_175 : memref<640x128xbf16, #tpu.memory_space<hbm>>)
      tpu.yield
    }) : () -> ()
    return
  }
}

module attributes {stable_mosaic.version = 14 : i64} {
  func.func @body(%arg0: i32, %arg1: memref<10000x128xf32, #tpu.memory_space<vmem>>, %arg2: memref<1x128x128xf32, #tpu.memory_space<vmem>>, %arg3: memref<10000x128xbf16, #tpu.memory_space<vmem>>) attributes {dimension_semantics = [#tpu.dimension_semantics<arbitrary>], iteration_bounds = array<i64: 27>, scalar_prefetch = 0 : i64, scratch_operands = 0 : i64, tpu.core_type = #tpu.core_type<tc>, window_params = [{pipeline_mode = #tpu.pipeline_mode<synchronous>, transform_indices = @transform_0, window_bounds = array<i64: 10000, 128>}, {transform_indices = @transform_1, window_bounds = array<i64: 1, 128, 128>}, {transform_indices = @transform_2, window_bounds = array<i64: 10000, 128>}]} {
    %get3A = arith.constant 0 : index
    %get3A_0 = arith.constant 0 : index
    %get3A_1 = vector.load %arg1[%get3A, %get3A_0] : memref<10000x128xf32, #tpu.memory_space<vmem>>, vector<10000x128xf32>
    %get3A_2 = arith.constant 0 : index
    %get3A_3 = arith.constant 0 : index
    %get3A_4 = arith.constant 0 : index
    %get3A_5 = vector.load %arg2[%get3A_2, %get3A_3, %get3A_4] : memref<1x128x128xf32, #tpu.memory_space<vmem>>, vector<1x128x128xf32>
    %get3A_6 = vector.shape_cast %get3A_5 : vector<1x128x128xf32> to vector<128x128xf32>
    %dot_general3A = arith.constant dense<0.000000e+00> : vector<10000x128xf32>
    %dot_general3A_7 = tpu.matmul %get3A_1, %get3A_6, %dot_general3A {dimension_numbers = #tpu.dot_dimension_numbers<[1], [0], [0], [1], [0, 0, 1, 1], [], []>, transpose_lhs_hint = false} : vector<10000x128xf32>, vector<128x128xf32>, vector<10000x128xf32> -> vector<10000x128xf32>
    %convert_element_type3A = arith.truncf %dot_general3A_7 : vector<10000x128xf32> to vector<10000x128xbf16>
    %swap3A = arith.constant 0 : index
    %swap3A_8 = arith.constant 0 : index
    %swap3A_9 = vector.load %arg3[%swap3A, %swap3A_8] : memref<10000x128xbf16, #tpu.memory_space<vmem>>, vector<10000x128xbf16>
    tpu.vector_store %arg3[%swap3A, %swap3A_8], %convert_element_type3A {strides = array<i32>} : memref<10000x128xbf16, #tpu.memory_space<vmem>>, vector<10000x128xbf16>,
    return
  }
  func.func @transform_0(%arg0: i32) -> (i32, i32) {
    %c0_i32 = arith.constant 0 : i32
    %c0_i32_0 = arith.constant 0 : i32
    %c0_i32_1 = arith.constant 0 : i32
    return %c0_i32, %c0_i32_0 : i32, i32
  }
  func.func @transform_1(%arg0: i32) -> (i32, i32, i32) {
    %c0_i32 = arith.constant 0 : i32
    %c0_i32_0 = arith.constant 0 : i32
    %c0_i32_1 = arith.constant 0 : i32
    return %arg0, %c0_i32, %c0_i32_0 : i32, i32, i32
  }
  func.func @transform_2(%arg0: i32) -> (i32, i32) {
    %c0_i32 = arith.constant 0 : i32
    %c0_i32_0 = arith.constant 0 : i32
    return %arg0, %c0_i32 : i32, i32
  }
}

module attributes {stable_mosaic.version = 14 : i64} {
  func.func @body(%arg0: memref<2x10000x128xbf16, #tpu.memory_space<vmem>>, %arg1: memref<1x128xf32, #tpu.memory_space<vmem>>, %arg2: memref<10000x128xf32, #tpu.memory_space<vmem>>) attributes {dimension_semantics = [], scalar_prefetch = 0 : i64, scratch_operands = 0 : i64, tpu.core_type = #tpu.core_type<tc>} {
    %get3A = arith.constant 0 : index
    %get3A_0 = arith.constant 0 : index
    %get3A_1 = arith.constant 0 : index
    %get3A_2 = vector.load %arg0[%get3A, %get3A_0, %get3A_1] : memref<2x10000x128xbf16, #tpu.memory_space<vmem>>, vector<2x10000x128xbf16>
    %convert_element_type3A = arith.extf %get3A_2 : vector<2x10000x128xbf16> to vector<2x10000x128xf32>
    %reduce_sum3A = arith.constant dense<0.000000e+00> : vector<10000x128xf32>
    %reduce_sum3A_3 = vector.multi_reduction <add>, %convert_element_type3A, %reduce_sum3A [0] : vector<2x10000x128xf32> to vector<10000x128xf32>
    %get3A_4 = arith.constant 0 : index
    %get3A_5 = arith.constant 0 : index
    %get3A_6 = vector.load %arg1[%get3A_4, %get3A_5] : memref<1x128xf32, #tpu.memory_space<vmem>>, vector<1x128xf32>
    %add3A = vector.broadcast %get3A_6 : vector<1x128xf32> to vector<10000x128xf32>
    %add3A_7 = arith.addf %reduce_sum3A_3, %add3A : vector<10000x128xf32>
    %swap3A = arith.constant 0 : index
    %swap3A_8 = arith.constant 0 : index
    %swap3A_9 = vector.load %arg2[%swap3A, %swap3A_8] : memref<10000x128xf32, #tpu.memory_space<vmem>>, vector<10000x128xf32>
    tpu.vector_store %arg2[%swap3A, %swap3A_8], %add3A_7 {strides = array<i32>} : memref<10000x128xf32, #tpu.memory_space<vmem>>, vector<10000x128xf32>,
    return
  }
}

</mosaic_0001>

<sc_bundles>
// kernel: kernel.5.cloned.1.call-start
scs
__scs_entry_jumppad:
0x0: {  	(pc) =	sbr.rel $0x88, $3  }
0x1: {  	(tag) =	ssettag $0x0;
	lr =	simm.s32 $0x1  }
0x2: {  	[smem:$0x3F9C] =	sst lr;
	_ =	strace $0xD0000000  }
0x3: {  	_ = 	snop  }
0x4: {  	_ = 	snop  }
0x5: {  	_ = 	snop  }
0x6: {  	_ = 	snop  }
0x7: {  	_ = 	snop  }
__scs_overlays_trampoline_lowered:
0x8: {  	[smem:$0x3FAB] =	sst s0  }
0x9: {  	[smem:$0x3FAC] =	sst s1  }
0xa: {  	[smem:$0x3FAD] =	sst s2  }
0xb: {  	[smem:$0x3FAE] =	sst s3  }
0xc: {  	[smem:$0x3FAF] =	sst s4  }
0xd: {  	[smem:$0x3FB0] =	sst s5  }
0xe: {  	[smem:$0x3FB1] =	sst s6  }
0xf: {  	[smem:$0x3FB2] =	sst s7  }
0x10: {  	[smem:$0x3FB3] =	sst s8  }
0x11: {  	[smem:$0x3FB4] =	sst s9;
	s0 =	simm.s32 @!p0 $0x0  }
0x12: {  	s1 =	sld [smem:$0x3F9A];
	s0 =	simm.s32 @p0 $0x1  }
0x13: {  	[smem:$0x3FB5] =	sst s0;
	s0 =	simm.s32 @!p1 $0x0  }
0x14: {  	s2 =	sld [smem:$0x3F99];
	s0 =	simm.s32 @p1 $0x1  }
0x15: {  	[smem:$0x3FB6] =	sst s0;
	s0 =	simm.s32 @!p2 $0x0  }
0x16: {  	s3 =	sld [smem:$0x3FDB];
	s0 =	simm.s32 @p2 $0x1  }
0x17: {  	s4 =	simm.s32 $0x1BF5;
	[smem:$0x3FB8] =	sst s0  }
0x18: {  	s0 =	sld [smem:$0x3F9B];
	_ =	swait.ge [sflag:s4], $0x0  }
0x19: {  	s7 =	sld [smem:$0x3F9C]  }
0x1a: {  	s8 =	sadd.s32 $0xFFFFE003, lr  }
0x1b: {  	s9 =	sadd.s32 $0xFFFFFEF7, lr;
	s5 =	simm.s32 $0xFFFFFFFF;
	p2 =	slt.u32 s8, $0xFFFFF086  }
0x1c: {  	p1 =	slt.u32 s9, $0xF7A;
	s5 =	simm.s32 @!p2 $0x0  }
0x1d: {  	s5 =	simm.s32 @p1 $0x1;
	p0 =	seq.s32 s7, s2  }
0x1e: {  	s7 =	smul.u32 @!p0 $0xF7A, s2;
	p2 =	seq.s32 @!p0 s5, $0x0  }
0x1f: {  	s9 =	smul.u32 $0xF7A, s1;
	s8 =	simm.s32 @!p0 $0x1BF5;
	p2 =	por !p2, p0  }
0x20: {  	[sflag:s8] =	ssyncset.s32 @!p0 $0xFFFFF086;
	s6 =	sadd.s32 @!p0 s3, s7;
	s7 =	simm.s32 @!p0 $0x108  }
0x21: {  	s3 =	sadd.s32 s3, s9;
	s6 =	sadd.s32 @!p0 $0x88, s6;
	s7 =	simm.s32 @p2 $0x1082  }
0x22: {  	[simem:s7], [sflag:s8] =	dma.local @!p0 [hbm:s6], $0xF7A  }
0x23: {  	s9 =	sor.u32 $0xD0000000, s2;
	s6 =	simm.s32 $0x108;
	_ =	swait.ge @!p0 [sflag:s8], $0x0  }
0x24: {  	s3 =	sadd.s32 $0x88, s3;
	s6 =	simm.s32 @!p1 $0x1082;
	[sflag:s4] =	ssyncset.s32 $0xFFFFF086  }
0x25: {  	[simem:s6], [sflag:s4] =	dma.local [hbm:s3], $0xF7A  }
0x26: {  	[smem:$0x3F9C] =	sst s1;
	(tag) =	ssettag s2;
	_ =	strace s9  }
0x27: {  	s1 =	sld [smem:$0x3FAC]  }
0x28: {  	s2 =	sld [smem:$0x3FAD]  }
0x29: {  	s4 =	sld [smem:$0x3FAF]  }
0x2a: {  	p0 =	seq.s32 s5, $0x0;
	s5 =	sld [smem:$0x3FB0]  }
0x2b: {  	s6 =	sld [smem:$0x3FB1]  }
0x2c: {  	s7 =	sld [smem:$0x3FB2]  }
0x2d: {  	s3 =	simm.s32 $0x108;
	s8 =	sld [smem:$0x3FB3]  }
0x2e: {  	s3 =	simm.s32 @!p0 $0x1082;
	s9 =	sld [smem:$0x3FB4]  }
0x2f: {  	lr =	sadd.s32 s0, s3;
	s0 =	sld [smem:$0x3FAB]  }
0x30: {  	s3 =	sld [smem:$0x3FAE]  }
0x31: {  	[smem:$0x3FB7] =	sst s10  }
0x32: {  	s10 =	sld [smem:$0x3FB5];
	_ =	sdelay $0x3  }
0x33: {  	p0 =	seq.s32 s10, $0x1;
	s10 =	sld [smem:$0x3FB7];
	_ =	sdelay $0x3  }
0x34: {  	[smem:$0x3FB7] =	sst s10  }
0x35: {  	s10 =	sld [smem:$0x3FB6];
	_ =	sdelay $0x3  }
0x36: {  	p1 =	seq.s32 s10, $0x1;
	s10 =	sld [smem:$0x3FB7];
	_ =	sdelay $0x3  }
0x37: {  	[smem:$0x3FB7] =	sst s10  }
0x38: {  	s10 =	sld [smem:$0x3FB8]  }
0x39: {  	_ = 	snop;
	(pc) =	sbr.ind lr, $3  }
0x3a: {  	_ = 	snop  }
0x3b: {  	_ = 	snop  }
0x3c: {  	p2 =	seq.s32 s10, $0x1;
	s10 =	sld [smem:$0x3FB7]  }
0x3d: {  	_ =	shalt  }
0x3e: {  	_ =	shalt  }
0x3f: {  	_ =	shalt  }
0x40: {  	_ =	shalt  }
0x41: {  	_ =	shalt  }
0x42: {  	_ =	shalt  }
0x43: {  	_ =	shalt  }
0x44: {  	_ =	shalt  }
0x45: {  	_ =	shalt  }
0x46: {  	_ =	shalt  }
0x47: {  	_ =	shalt  }
0x48: {  	_ =	shalt  }
0x49: {  	_ =	shalt  }
0x4a: {  	_ =	shalt  }
0x4b: {  	_ =	shalt  }
0x4c: {  	_ =	shalt  }
0x4d: {  	_ =	shalt  }
0x4e: {  	_ =	shalt  }
0x4f: {  	_ =	shalt  }
0x50: {  	_ =	shalt  }
0x51: {  	_ =	shalt  }
0x52: {  	_ =	shalt  }
0x53: {  	_ =	shalt  }
0x54: {  	_ =	shalt  }
0x55: {  	_ =	shalt  }
0x56: {  	_ =	shalt  }
0x57: {  	_ =	shalt  }
0x58: {  	_ =	shalt  }
0x59: {  	_ =	shalt  }
0x5a: {  	_ =	shalt  }
0x5b: {  	_ =	shalt  }
0x5c: {  	_ =	shalt  }
0x5d: {  	_ =	shalt  }
0x5e: {  	_ =	shalt  }
0x5f: {  	_ =	shalt  }
0x60: {  	_ =	shalt  }
0x61: {  	_ =	shalt  }
0x62: {  	_ =	shalt  }
0x63: {  	_ =	shalt  }
0x64: {  	_ =	shalt  }
0x65: {  	_ =	shalt  }
0x66: {  	_ =	shalt  }
0x67: {  	_ =	shalt  }
0x68: {  	_ =	shalt  }
0x69: {  	_ =	shalt  }
0x6a: {  	_ =	shalt  }
0x6b: {  	_ =	shalt  }
0x6c: {  	_ =	shalt  }
0x6d: {  	_ =	shalt  }
0x6e: {  	_ =	shalt  }
0x6f: {  	_ =	shalt  }
0x70: {  	_ =	shalt  }
0x71: {  	_ =	shalt  }
0x72: {  	_ =	shalt  }
0x73: {  	_ =	shalt  }
0x74: {  	_ =	shalt  }
0x75: {  	_ =	shalt  }
0x76: {  	_ =	shalt  }
0x77: {  	_ =	shalt  }
0x78: {  	_ =	shalt  }
0x79: {  	_ =	shalt  }
0x7a: {  	_ =	shalt  }
0x7b: {  	_ =	shalt  }
0x7c: {  	_ =	shalt  }
0x7d: {  	_ =	shalt  }
0x7e: {  	_ =	shalt  }
0x7f: {  	_ =	shalt  }
0x80: {  	_ =	shalt  }
0x81: {  	_ =	shalt  }
0x82: {  	_ =	shalt  }
0x83: {  	_ =	shalt  }
0x84: {  	_ =	shalt  }
0x85: {  	_ =	shalt  }
0x86: {  	_ =	shalt  }
0x87: {  	_ =	shalt  }
.Lfunc_end0:
.L_simem_size_0:
called_computation.1_lowered:
.L_overlay_start_0:
0x88: {  	s2 =	sld [smem:$0x3FD9]  }
0x89: {  	s3 =	sld [smem:$0x3FFE];
	_ =	sdelay $0x1  }
0x8a: {  	s1 =	srdreg.scid  }
0x8b: {  	s0 =	sand.u32 $0x1, s1  }
0x8c: {  	s17 =	sshll.u32 s0, $0xA;
	s2 =	sadd.s32 s3, s2  }
0x8d: {  	s2 =	sadd.s32 s2, s17  }
0x8e: {  	[smem:$0x3FC3] =	sst s2  }
0x8f: {  	_ = 	snop  }
0x90: {  	s2 =	sld [smem:$0x3FD0];
	(tm) =	ssettm $0x1  }
0x91: {  	s18 =	sld [smem:$0x3FFB];
	_ =	sdelay $0x3  }
0x92: {  	_ =	strace s18  }
0x93: {  	s3 =	sld [smem:$0x3FFC];
	_ =	sdelay $0x3  }
0x94: {  	_ =	strace s3  }
0x95: {  	s3 =	sld [smem:$0x3FFD];
	_ =	sdelay $0x3  }
0x96: {  	_ =	strace s3  }
0x97: {  	_ =	strace $0x8FFFFFFF  }
0x98: {  	s19 =	sld [smem:$0x3FDB];
	_ =	sdelay $0x1  }
0x99: {  	s4 =	simm.s32 $_scs_section_size  }
0x9a: {  	s5 =	simm.s32 $_size__tile_overlayer_lowered;
	s6 =	simm.s32 $_tile_overlayer_lowered  }
0x9b: {  	s22 =	simm.s32 $0x1BFF;
	s21 =	sshll.u32 s6, $0x1;
	s3 =	sadd.s32 s4, s19  }
0x9c: {  	s7 =	simm.s32 $0x0;
	s20 =	sshll.u32 s5, $0x1;
	s5 =	sadd.s32 s21, s3  }
0x9d: {  	[timem:s7], [sflag:s22] =	dma.local [hbm:s5], s20  }
0x9e: {  	_ =	swait.ge [sflag:s22], s20  }
0x9f: {  	s4 =	ssub.s32 $0x0, s20;
	[sflag:s22] =	ssyncset.done $0x0  }
0xa0: {  	[sflag:s22] =	ssyncadd.s32 s4;
	_ =	sdelay $0x1  }
0xa1: {  	s23 =	simm.s32 $0x1B8B  }
0xa2: {  	_ =	swait.ge [sflag:s23], $0x1  }
0xa3: {  	[sflag:s23] =	ssyncset.done $0x0  }
0xa4: {  	s25 =	simm.s32 $0x1B8E;
	s24 =	sld [smem:$0x3FFE];
	[sflag:s23] =	ssyncadd.s32 $0xFFFFFFFF  }
0xa5: {  	s26 =	simm.s32 $execute0_lowered;
	[smem:$0x3FD2] =	sst s25  }
0xa6: {  	s5 =	sshll.u32 s26, $0x1;
	_ =	strace $0x80000049;
	[dreg:$0x1] =	wrdreg $0xFFFFFFFF  }
0xa7: {  	s28 =	simm.s32 $_size_execute0_lowered;
	s3 =	sadd.s32 s3, s5;
	[dreg:$0x0] =	wrdreg $0x0  }
0xa8: {  	s5 =	sshll.u32 s28, $0x1;
	[dreg:$0x2] =	wrdreg s3  }
0xa9: {  	[dreg:$0x3] =	wrdreg s5  }
0xaa: {  	[dreg:$0x4] =	wrdreg $0xC0  }
0xab: {  	_ =	task [dreg:s7], $0x5FFFF  }
0xac: {  	[dreg:$0x1] =	wrdreg $0xFFFFFFFF  }
0xad: {  	[dreg:$0x0] =	wrdreg $0x60  }
0xae: {  	[dreg:$0x2] =	wrdreg s24  }
0xaf: {  	[dreg:$0x3] =	wrdreg s2  }
0xb0: {  	[dreg:$0x4] =	wrdreg $0x150000  }
0xb1: {  	[dreg:$0x5] =	wrdreg $0x9  }
0xb2: {  	_ =	task.clear_ibuf [dreg:s7], $0x6FFFF;
	_ =	strace $0x90000049  }
0xb3: {  	s29 =	simm.s32 $0x9;
	_ =	strace $0x8000004B  }
0xb4: {  	_ =	swait.ge [sflag:s29], $0x1  }
0xb5: {  	[sflag:s29] =	ssyncadd.s32 $0xFFFFFFFF  }
0xb6: {  	_ =	strace $0x9000004B  }
0xb7: {  	_ =	sfence  }
0xb8: {  	s30 =	sld [smem:$0x0];
	_ =	sdelay $0x2  }
0xb9: {  	s31 =	sshll.u32 s1, $0xD;
	s1 =	sshrl.u32 s1, $0x2  }
0xba: {  	s3 =	sand.u32 $0x4000, s31;
	s1 =	sadd.s32 s1, s30  }
0xbb: {  	s0 =	sor.u32 s3, s0;
	s1 =	sshll.u32 s1, $0x11  }
0xbc: {  	s0 =	sor.u32 s1, s0  }
0xbd: {  	s0 =	sadd.s32 $0x8F2B, s0  }
0xbe: {  	[sflag:s0] =	ssyncadd.remote.s32 $0x1  }
0xbf: {  	_ =	sfence.sel $0xFFFF  }
0xc0: {  	[dreg:$0x0] =	wrdreg $0xFFFFFFFF;
	(pc) =	sbr.abs _section_cstart, $3  }
0xc1: {  	[dreg:$0x1] =	wrdreg $0xFFFFFFFF  }
0xc2: {  	_ =	task.clear_ibuf [dreg:s7], $0x2FFFF;
	_ =	strace $0x9FFFFFFF  }
0xc3: {  	(tm) =	ssettm $0x7FFFFFFF  }
tec
execute0_lowered:
.L_overlay_start_1:
0x0: {  	(tag) =	ssettag $0x1  }
0x1: {  	s0 =	rddreg [dreg:$0x0]  }
0x2: {  	s1 =	rddreg [dreg:$0x1]  }
0x3: {  	s2 =	rddreg [dreg:$0x2]  }
0x4: {  	s4 =	srdreg.scid;
	s3 =	stileid.u32  }
0x5: {  	s7 =	simm.s32 $0x0;
	s15 =	simm.s32 $0x5000;
	s16 =	simm.s32 $0x11  }
0x6: {  	s17 =	simm.s32 $0x9;
	s18 =	simm.s32 $0xA;
	s29 =	simm.s32 $0xF000  }
0x7: {  	s31 =	simm.s32 $0x11000;
	s14 =	simm.s32 $0x1;
	s28 =	simm.s32 $0x8  }
0x8: {  	s5 =	sand.u32 $0x1, s4;
	s6 =	smul.u32 $0x14000, s3;
	[smem:$0x7FF] =	sst s7  }
0x9: {  	s4 =	sadd.s32 $0x210000, s0;
	s10 =	smul.u32 $0x28000, s3;
	s19 =	sshll.u32 s5, $0x4  }
0xa: {  	s8 =	smul.u32 $0x140000, s5;
	_ =	strace $0x8000004A;
	s5 =	ssub.s32 $0x2, s5  }
0xb: {  	s7 =	sor.u32 s3, s19;
	s9 =	sshrl.u32 s5, $0x1;
	s20 =	sshrl.u32 s6, $0x1  }
0xc: {  	s21 =	sshrl.u32 s10, $0x2;
	s19 =	simm.s32 $0x80;
	s10 =	simm.s32 $0x0  }
0xd: {  	s7 =	smul.u32 $0x500, s7;
	s8 =	sadd.s32 s6, s8;
	s5 =	ssub.s32 s5, s9  }
0xe: {  	s23 =	sadd.s32 s21, s2;
	s21 =	simm.s32 $0x2;
	s6 =	simm.s32 $0xE  }
0xf: {  	s8 =	sshrl.u32 s8, $0x4;
	s24 =	sadd.s32 $0x2000, s23;
	s25 =	sadd.s32 $0x4000, s23  }
0x10: {  	s26 =	sadd.s32 $0x6000, s23;
	s30 =	smax.u32 s5, $0x1;
	[dreg:$0x7] =	wrdreg s24  }
0x11: {  	s5 =	simm.s32 $0xD;
	s11 =	sadd.s32 s7, s0;
	[dreg:$0x8] =	wrdreg s25  }
0x12: {  	s0 =	sadd.s32 s8, s0;
	s1 =	sadd.s32 s1, s7;
	[dreg:$0x9] =	wrdreg s26  }
0x13: {  	s7 =	sadd.s32 s20, s2;
	[dreg:$0xc] =	wrdreg s30;
	s20 =	simm.s32 $0x7000  }
.Ltmp0:
0x14: {  	s26 =	simm.s32 $0xD000;
	[dreg:$0x4] =	wrdreg s1;
	(pc) =	sbr.rel .LBB2_1-.Ltmp0, $4  }
0x15: {  	s24 =	simm.s32 $0x5;
	s22 =	sadd.s32 $0x41F600, s11;
	[dreg:$0x6] =	wrdreg s7  }
0x16: {  	s25 =	simm.s32 $0x7;
	s1 =	sadd.s32 $0x8000, s23;
	[dreg:$0x5] =	wrdreg s22  }
0x17: {  	s0 =	sadd.s32 $0xA00, s0;
	s23 =	simm.s32 $0x3;
	[dreg:$0xa] =	wrdreg s1  }
0x18: {  	v0 =	vimm.bf16 $0.0e+00;
	[dreg:$0xb] =	wrdreg s0;
	s22 =	simm.s32 $0x9000;
	s1 =	simm.s32 $0x13000  }
.LBB2_6:
0x19: {  	_ =	swait.ge [sflag:s28], $0x2000  }
0x1a: {  	[sflag:s28] =	ssyncset.done $0x0  }
0x1b: {  	s0 =	simm.s32 $0x4F80;
	[sflag:s28] =	ssyncadd.s32 $0xFFFFE000  }
0x1c: {  	[spmem:s2] =	stream.indirect.scatter.add.bf16 [tilespmem:s1], [sflag:$0x10], $0x40, s0, s19, $0xb8;
	[tilespmem:$0x1F000] =	vst v63  }
0x1d: {  	_ =	swait.ge [sflag:s17], $0x2000  }
0x1e: {  	[sflag:s17] =	ssyncset.done $0x0  }
0x1f: {  	[sflag:s17] =	ssyncadd.s32 $0xFFFFE000  }
0x20: {  	_ =	swait.ge [sflag:s18], $0x2000  }
0x21: {  	[sflag:s18] =	ssyncset.done $0x0  }
0x22: {  	s8 =	simm.s32 $0xB;
	[sflag:s18] =	ssyncadd.s32 $0xFFFFE000  }
0x23: {  	_ =	swait.ge [sflag:s8], $0x2000  }
0x24: {  	[sflag:s8] =	ssyncset.done $0x0  }
0x25: {  	s9 =	simm.s32 $0xC;
	[sflag:s8] =	ssyncadd.s32 $0xFFFFE000  }
0x26: {  	_ =	swait.ge [sflag:s9], $0x2000  }
0x27: {  	[sflag:s9] =	ssyncset.done $0x0  }
0x28: {  	[sflag:s9] =	ssyncadd.s32 $0xFFFFE000  }
0x29: {  	_ =	swait.ge [sflag:s5], $0x2000  }
0x2a: {  	[sflag:s5] =	ssyncset.done $0x0  }
0x2b: {  	[sflag:s5] =	ssyncadd.s32 $0xFFFFE000  }
0x2c: {  	_ =	swait.ge [sflag:s6], $0x2000  }
0x2d: {  	[sflag:s6] =	ssyncset.done $0x0  }
0x2e: {  	s11 =	simm.s32 $0xF;
	[sflag:s6] =	ssyncadd.s32 $0xFFFFE000  }
0x2f: {  	_ =	swait.ge [sflag:s11], $0x2000  }
0x30: {  	[sflag:s11] =	ssyncset.done $0x0  }
0x31: {  	s12 =	simm.s32 $0x10;
	[sflag:s11] =	ssyncadd.s32 $0xFFFFE000  }
0x32: {  	_ =	swait.ge [sflag:s12], $0x2000  }
0x33: {  	[sflag:s12] =	ssyncset.done $0x0  }
0x34: {  	[sflag:s12] =	ssyncadd.s32 $0xFFFFE000  }
0x35: {  	s13 =	stileid.u32;
	[bflag:$0x0] =	sbarrier.arrive $0xFFFF  }
0x36: {  	s0 =	sshll.u32 s13, $0x6;
	s7 =	rddreg [dreg:$0x6]  }
0x37: {  	s0 =	sor.u32 $0x1C11, s0;
	s8 =	rddreg [dreg:$0xb];
	s3 =	sshrl.u32 s7, $0x3  }
0x38: {  	[hbm:s8], [sflag:s0] =	dma.local [spmem:s3], $0x1400  }
0x39: {  	_ =	swait.ge [sflag:s16], $0x1400  }
0x3a: {  	s10 =	sadd.s32 $0x1, s10;
	s30 =	rddreg [dreg:$0xc]  }
0x3b: {  	p0 =	sne.s32 s10, s30  }
.Ltmp1:
0x3c: {  	_ = 	snop;
	(pc) =	sbr.rel @!p0 .LBB2_7-.Ltmp1, $3  }
0x3d: {  	_ =	sdelay $0x1  }
0x3e: {  	[sflag:s16] =	ssyncset.done $0x0  }
0x3f: {  	[sflag:s16] =	ssyncadd.s32 $0xFFFFEC00  }
.LBB2_1:
0x40: {  	s0 =	simm.s32 $0x0;
	s3 =	rddreg [dreg:$0x4]  }
0x41: {  	[tilespmem:s0], [sflag:$0x9] =	stream.linear.gather [hbm4b:s3+s0], $0x2800, $0x38;
	[tilespmem:$0x1F000] =	vst v63  }
0x42: {  	s30 =	rddreg [dreg:$0x5];
	s11 =	sand.u32 $0x7F00, s0;
	s12 =	sand.u32 $0x60, s0  }
0x43: {  	s8 =	simm.s32 $0x2800;
	s11 =	sshrl.u32 s11, $0x2;
	s12 =	sshrl.u32 s12, $0x1  }
0x44: {  	[tilespmem:s8], [sflag:$0xA] =	stream.linear.gather [hbm4b:s30+s0], $0x2800, $0x38;
	[tilespmem:$0x1F000] =	vst v63  }
0x45: {  	s12 =	sor.u32 s12, s11  }
0x46: {  	s11 =	simm.s32 $0x40;
	[tilespmem:s12+$0x5000] =	vst v0;
	s12 =	simm.s32 $0x0  }
.LBB2_2:
0x47: {  	p0 =	sne.s32 s11, $0x7FC0  }
.Ltmp2:
0x48: {  	s13 =	sand.u32 $0x7F00, s11;
	s12 =	sadd.s32 $0x20, s12;
	(pc) =	sbr.rel @p0 .LBB2_2-.Ltmp2, $4  }
0x49: {  	s11 =	sadd.s32 $0x40, s11;
	s0 =	sand.u32 $0x60, s12  }
0x4a: {  	s13 =	sshrl.u32 s13, $0x2;
	s0 =	sshrl.u32 s0, $0x1  }
0x4b: {  	s0 =	sor.u32 s0, s13  }
0x4c: {  	[tilespmem:s0+$0x5000] =	vst v0  }
0x4d: {  	[spmem:s7] =	stream.linear.scatter [tilespmem:s15], [sflag:$0x11], $0x2000, $0x38;
	[tilespmem:$0x1F000] =	vst v63  }
0x4e: {  	_ =	swait.ge [sflag:s16], $0x2000  }
0x4f: {  	[sflag:s16] =	ssyncset.done $0x0  }
0x50: {  	s0 =	rddreg [dreg:$0x7];
	[sflag:s16] =	ssyncadd.s32 $0xFFFFE000  }
0x51: {  	[spmem:s0] =	stream.linear.scatter [tilespmem:s15], [sflag:$0x11], $0x2000, $0x38;
	[tilespmem:$0x1F000] =	vst v63  }
0x52: {  	_ =	swait.ge [sflag:s16], $0x2000  }
0x53: {  	[sflag:s16] =	ssyncset.done $0x0  }
0x54: {  	s13 =	rddreg [dreg:$0x8];
	[sflag:s16] =	ssyncadd.s32 $0xFFFFE000  }
0x55: {  	[spmem:s13] =	stream.linear.scatter [tilespmem:s15], [sflag:$0x11], $0x2000, $0x38;
	[tilespmem:$0x1F000] =	vst v63  }
0x56: {  	_ =	swait.ge [sflag:s16], $0x2000  }
0x57: {  	[sflag:s16] =	ssyncset.done $0x0  }
0x58: {  	s30 =	rddreg [dreg:$0x9];
	[sflag:s16] =	ssyncadd.s32 $0xFFFFE000  }
0x59: {  	[spmem:s30] =	stream.linear.scatter [tilespmem:s15], [sflag:$0x11], $0x2000, $0x38;
	[tilespmem:$0x1F000] =	vst v63  }
0x5a: {  	_ =	swait.ge [sflag:s16], $0x2000  }
0x5b: {  	[sflag:s16] =	ssyncset.done $0x0  }
0x5c: {  	s3 =	rddreg [dreg:$0xa];
	[sflag:s16] =	ssyncadd.s32 $0xFFFFE000  }
0x5d: {  	[spmem:s3] =	stream.linear.scatter [tilespmem:s15], [sflag:$0x11], $0x2000, $0x38;
	[tilespmem:$0x1F000] =	vst v63  }
0x5e: {  	_ =	swait.ge [sflag:s16], $0x2000  }
0x5f: {  	[sflag:s16] =	ssyncset.done $0x0  }
0x60: {  	[sflag:s16] =	ssyncadd.s32 $0xFFFFE000  }
0x61: {  	[bflag:$0x0] =	sbarrier.arrive $0xFFFF  }
0x62: {  	_ =	swait.ge [sflag:s17], $0x2800  }
0x63: {  	[sflag:s17] =	ssyncset.done $0x0  }
0x64: {  	[sflag:s17] =	ssyncadd.s32 $0xFFFFD800  }
0x65: {  	_ =	swait.ge [sflag:s18], $0x2800  }
0x66: {  	[sflag:s18] =	ssyncset.done $0x0  }
0x67: {  	s11 =	simm.s32 $0x0;
	[sflag:s18] =	ssyncadd.s32 $0xFFFFD800  }
0x68: {  	[tilespmem:s15], [sflag:$0x1] =	stream.indirect.gather [hbm4b:s4+s19], $0x40, s11, s19, $0xb8;
	[tilespmem:$0x1F000] =	vst v63  }
0x69: {  	_ = 	snop  }
0x6a: {  	[tilespmem:s20], [sflag:$0x2] =	stream.indirect.gather [hbm4b:s4+s19], $0x40, s19, s19, $0xb8;
	[tilespmem:$0x1F000] =	vst v63  }
0x6b: {  	s7 =	simm.s32 $0x100  }
0x6c: {  	[tilespmem:s22], [sflag:$0x3] =	stream.indirect.gather [hbm4b:s4+s19], $0x40, s7, s19, $0xb8;
	[tilespmem:$0x1F000] =	vst v63  }
0x6d: {  	s8 =	simm.s32 $0x180;
	s3 =	simm.s32 $0xB000  }
0x6e: {  	[tilespmem:s3], [sflag:$0x4] =	stream.indirect.gather [hbm4b:s4+s19], $0x40, s8, s19, $0xb8;
	[tilespmem:$0x1F000] =	vst v63  }
0x6f: {  	s9 =	simm.s32 $0x200  }
0x70: {  	[tilespmem:s26], [sflag:$0x5] =	stream.indirect.gather [hbm4b:s4+s19], $0x40, s9, s19, $0xb8;
	[tilespmem:$0x1F000] =	vst v63  }
0x71: {  	s12 =	simm.s32 $0x280  }
0x72: {  	[tilespmem:s29], [sflag:$0x6] =	stream.indirect.gather [hbm4b:s4+s19], $0x40, s12, s19, $0xb8;
	[tilespmem:$0x1F000] =	vst v63  }
0x73: {  	s13 =	simm.s32 $0x300  }
0x74: {  	[tilespmem:s31], [sflag:$0x7] =	stream.indirect.gather [hbm4b:s4+s19], $0x40, s13, s19, $0xb8;
	[tilespmem:$0x1F000] =	vst v63  }
0x75: {  	s30 =	simm.s32 $0x380  }
0x76: {  	[tilespmem:s1], [sflag:$0x8] =	stream.indirect.gather [hbm4b:s4+s19], $0x40, s30, s19, $0xb8;
	[tilespmem:$0x1F000] =	vst v63  }
.LBB2_4:
0x77: {  	_ =	swait.ge [sflag:s14], $0x2000  }
0x78: {  	s12 =	sshra.s32 s11, $0x2;
	[sflag:s14] =	ssyncset.done $0x0  }
0x79: {  	p0 =	seq.s32 s11, $0x0;
	s0 =	sadd.s32 $0x2800, s12;
	[sflag:s14] =	ssyncadd.s32 $0xFFFFE000  }
0x7a: {  	[spmem:s2] =	stream.indirect.scatter.add.bf16 [tilespmem:s15], [sflag:$0x9], $0x40, s0, s19, $0xb8;
	[tilespmem:$0x1F000] =	vst v63  }
0x7b: {  	s0 =	simm.s32 @!p0 $0xF  }
0x7c: {  	_ =	swait.ge @!p0 [sflag:s0], $0x2000  }
0x7d: {  	[sflag:s0] =	ssyncset.done @!p0 $0x0  }
0x7e: {  	[sflag:s0] =	ssyncadd.s32 @!p0 $0xFFFFE000;
	s0 =	sshra.s32 @!p0 s11, $0x2  }
0x7f: {  	s30 =	simm.s32 @!p0 $0x80;
	s8 =	simm.s32 @!p0 $0x11000;
	s13 =	sadd.s32 @!p0 $0x300, s0  }
0x80: {  	[tilespmem:s8], [sflag:$0x7] =	stream.indirect.gather @!p0 [hbm4b:s4+s30], $0x40, s13, s30, $0xb8;
	[tilespmem:$0x1F000] =	vst v63  }
0x81: {  	_ =	swait.ge [sflag:s21], $0x2000  }
0x82: {  	[sflag:s21] =	ssyncset.done $0x0  }
0x83: {  	s13 =	sadd.s32 $0x2880, s12;
	s8 =	simm.s32 @!p0 $0x10;
	[sflag:s21] =	ssyncadd.s32 $0xFFFFE000  }
0x84: {  	[spmem:s2] =	stream.indirect.scatter.add.bf16 [tilespmem:s20], [sflag:$0xA], $0x40, s13, s19, $0xb8;
	[tilespmem:$0x1F000] =	vst v63  }
0x85: {  	_ =	swait.ge @!p0 [sflag:s8], $0x2000  }
0x86: {  	[sflag:s8] =	ssyncset.done @!p0 $0x0  }
0x87: {  	s0 =	sadd.s32 @!p0 $0x380, s0;
	[sflag:s8] =	ssyncadd.s32 @!p0 $0xFFFFE000;
	s8 =	simm.s32 @!p0 $0x13000  }
0x88: {  	[tilespmem:s8], [sflag:$0x8] =	stream.indirect.gather @!p0 [hbm4b:s4+s30], $0x40, s0, s30, $0xb8;
	[tilespmem:$0x1F000] =	vst v63  }
0x89: {  	_ =	swait.ge [sflag:s23], $0x2000  }
0x8a: {  	p0 =	seq.s32 s11, $0x9000;
	[sflag:s23] =	ssyncset.done $0x0  }
0x8b: {  	s3 =	sadd.s32 $0x2900, s12;
	s0 =	simm.s32 @p0 $0x4;
	[sflag:s23] =	ssyncadd.s32 $0xFFFFE000  }
0x8c: {  	[spmem:s2] =	stream.indirect.scatter.add.bf16 [tilespmem:s22], [sflag:$0xB], $0x40, s3, s19, $0xb8;
	[tilespmem:$0x1F000] =	vst v63  }
0x8d: {  	_ =	swait.ge @p0 [sflag:s0], $0x2000  }
0x8e: {  	[sflag:s0] =	ssyncset.done @p0 $0x0  }
0x8f: {  	[sflag:s0] =	ssyncadd.s32 @p0 $0xFFFFE000;
	s0 =	sshra.s32 @p0 s11, $0x2  }
0x90: {  	s13 =	simm.s32 @p0 $0x80;
	s30 =	simm.s32 @p0 $0xB000;
	s8 =	sadd.s32 @p0 $0x2980, s0  }
0x91: {  	[spmem:s2] =	stream.indirect.scatter.add.bf16 @p0 [tilespmem:s30], [sflag:$0xC], $0x40, s8, s13, $0xb8;
	[tilespmem:$0x1F000] =	vst v63  }
0x92: {  	s8 =	simm.s32 @!p0 $0x9  }
0x93: {  	_ =	swait.ge @!p0 [sflag:s8], $0x2000  }
0x94: {  	[sflag:s8] =	ssyncset.done @!p0 $0x0  }
0x95: {  	[sflag:s8] =	ssyncadd.s32 @!p0 $0xFFFFE000;
	s8 =	sshra.s32 @!p0 s11, $0x2  }
0x96: {  	s9 =	simm.s32 @!p0 $0x80;
	s3 =	simm.s32 @!p0 $0x5000;
	s30 =	sadd.s32 @!p0 $0x400, s8  }
0x97: {  	[tilespmem:s3], [sflag:$0x1] =	stream.indirect.gather @!p0 [hbm4b:s4+s9], $0x40, s30, s9, $0xb8;
	[tilespmem:$0x1F000] =	vst v63  }
0x98: {  	s3 =	simm.s32 @!p0 $0x4  }
0x99: {  	_ =	swait.ge @!p0 [sflag:s3], $0x2000  }
0x9a: {  	[sflag:s3] =	ssyncset.done @!p0 $0x0  }
0x9b: {  	s30 =	simm.s32 @!p0 $0xB000;
	[sflag:s3] =	ssyncadd.s32 @!p0 $0xFFFFE000;
	s3 =	sadd.s32 @!p0 $0x2980, s8  }
0x9c: {  	[spmem:s2] =	stream.indirect.scatter.add.bf16 @!p0 [tilespmem:s30], [sflag:$0xC], $0x40, s3, s9, $0xb8;
	[tilespmem:$0x1F000] =	vst v63  }
0x9d: {  	s3 =	simm.s32 @!p0 $0xA  }
0x9e: {  	_ =	swait.ge @!p0 [sflag:s3], $0x2000  }
0x9f: {  	[sflag:s3] =	ssyncset.done @!p0 $0x0  }
0xa0: {  	s7 =	simm.s32 @!p0 $0x7000;
	[sflag:s3] =	ssyncadd.s32 @!p0 $0xFFFFE000;
	s3 =	sadd.s32 @!p0 $0x480, s8  }
0xa1: {  	[tilespmem:s7], [sflag:$0x2] =	stream.indirect.gather @!p0 [hbm4b:s4+s9], $0x40, s3, s9, $0xb8;
	[tilespmem:$0x1F000] =	vst v63  }
0xa2: {  	_ =	swait.ge [sflag:s24], $0x2000  }
0xa3: {  	[sflag:s24] =	ssyncset.done $0x0  }
0xa4: {  	s7 =	sadd.s32 $0x2A00, s12;
	s3 =	simm.s32 @p0 $0x6;
	[sflag:s24] =	ssyncadd.s32 $0xFFFFE000  }
0xa5: {  	[spmem:s2] =	stream.indirect.scatter.add.bf16 [tilespmem:s26], [sflag:$0xD], $0x40, s7, s19, $0xb8;
	[tilespmem:$0x1F000] =	vst v63  }
0xa6: {  	_ =	swait.ge @p0 [sflag:s3], $0x2000  }
0xa7: {  	[sflag:s3] =	ssyncset.done @p0 $0x0  }
0xa8: {  	s0 =	sadd.s32 @p0 $0x2A80, s0;
	[sflag:s3] =	ssyncadd.s32 @p0 $0xFFFFE000;
	s3 =	simm.s32 @p0 $0xF000  }
0xa9: {  	[spmem:s2] =	stream.indirect.scatter.add.bf16 @p0 [tilespmem:s3], [sflag:$0xE], $0x40, s0, s13, $0xb8;
	[tilespmem:$0x1F000] =	vst v63  }
0xaa: {  	s0 =	simm.s32 @!p0 $0xB  }
0xab: {  	_ =	swait.ge @!p0 [sflag:s0], $0x2000  }
0xac: {  	[sflag:s0] =	ssyncset.done @!p0 $0x0  }
0xad: {  	s3 =	simm.s32 @!p0 $0x9000;
	[sflag:s0] =	ssyncadd.s32 @!p0 $0xFFFFE000;
	s0 =	sadd.s32 @!p0 $0x500, s8  }
0xae: {  	[tilespmem:s3], [sflag:$0x3] =	stream.indirect.gather @!p0 [hbm4b:s4+s9], $0x40, s0, s9, $0xb8;
	[tilespmem:$0x1F000] =	vst v63  }
0xaf: {  	s0 =	simm.s32 @!p0 $0x6  }
0xb0: {  	_ =	swait.ge @!p0 [sflag:s0], $0x2000  }
0xb1: {  	[sflag:s0] =	ssyncset.done @!p0 $0x0  }
0xb2: {  	s3 =	simm.s32 @!p0 $0xF000;
	[sflag:s0] =	ssyncadd.s32 @!p0 $0xFFFFE000;
	s0 =	sadd.s32 @!p0 $0x2A80, s8  }
0xb3: {  	[spmem:s2] =	stream.indirect.scatter.add.bf16 @!p0 [tilespmem:s3], [sflag:$0xE], $0x40, s0, s9, $0xb8;
	[tilespmem:$0x1F000] =	vst v63  }
0xb4: {  	s0 =	simm.s32 @!p0 $0xC  }
0xb5: {  	_ =	swait.ge @!p0 [sflag:s0], $0x2000  }
0xb6: {  	[sflag:s0] =	ssyncset.done @!p0 $0x0  }
0xb7: {  	[sflag:s0] =	ssyncadd.s32 @!p0 $0xFFFFE000;
	s0 =	sadd.s32 @!p0 $0x580, s8  }
0xb8: {  	[tilespmem:s30], [sflag:$0x4] =	stream.indirect.gather @!p0 [hbm4b:s4+s9], $0x40, s0, s9, $0xb8;
	[tilespmem:$0x1F000] =	vst v63  }
.Ltmp3:
0xb9: {  	_ = 	snop;
	(pc) =	sbr.rel @p0 .LBB2_6-.Ltmp3, $4  }
0xba: {  	_ =	swait.ge [sflag:s25], $0x2000  }
0xbb: {  	[sflag:s25] =	ssyncset.done $0x0  }
0xbc: {  	s30 =	sadd.s32 $0x2B00, s12;
	[sflag:s25] =	ssyncadd.s32 $0xFFFFE000  }
0xbd: {  	[spmem:s2] =	stream.indirect.scatter.add.bf16 [tilespmem:s31], [sflag:$0xF], $0x40, s30, s19, $0xb8;
	[tilespmem:$0x1F000] =	vst v63  }
0xbe: {  	_ =	swait.ge [sflag:s5], $0x2000  }
0xbf: {  	[sflag:s5] =	ssyncset.done $0x0  }
0xc0: {  	s0 =	sadd.s32 $0x600, s12;
	[sflag:s5] =	ssyncadd.s32 $0xFFFFE000  }
0xc1: {  	[tilespmem:s26], [sflag:$0x5] =	stream.indirect.gather [hbm4b:s4+s19], $0x40, s0, s19, $0xb8;
	[tilespmem:$0x1F000] =	vst v63  }
0xc2: {  	_ =	swait.ge [sflag:s28], $0x2000  }
0xc3: {  	[sflag:s28] =	ssyncset.done $0x0  }
0xc4: {  	s13 =	sadd.s32 $0x2B80, s12;
	[sflag:s28] =	ssyncadd.s32 $0xFFFFE000  }
0xc5: {  	[spmem:s2] =	stream.indirect.scatter.add.bf16 [tilespmem:s1], [sflag:$0x10], $0x40, s13, s19, $0xb8;
	[tilespmem:$0x1F000] =	vst v63  }
.Ltmp4:
0xc6: {  	_ = 	snop;
	(pc) =	sbr.rel .LBB2_4-.Ltmp4, $4  }
0xc7: {  	_ =	swait.ge [sflag:s6], $0x2000  }
0xc8: {  	[sflag:s6] =	ssyncset.done $0x0  }
0xc9: {  	s30 =	sadd.s32 $0x680, s12;
	s11 =	sadd.s32 $0x1000, s11;
	[sflag:s6] =	ssyncadd.s32 $0xFFFFE000  }
0xca: {  	[tilespmem:s29], [sflag:$0x6] =	stream.indirect.gather [hbm4b:s4+s19], $0x40, s30, s19, $0xb8;
	[tilespmem:$0x1F000] =	vst v63  }
.LBB2_7:
0xcb: {  	_ =	sfence.sel $0x180000  }
0xcc: {  	[bflag:$0x0] =	sbarrier.arrive $0xFFFF  }
0xcd: {  	_ =	strace $0x9000004A  }
0xce: {  	s0 =	stileid.u32;
	[bflag:$0x2] =	sbarrier.arrive $0xFFFF  }
0xcf: {  	p0 =	sne.s32 s0, $0x0;
	s0 =	rddreg [dreg:$0x3]  }
0xd0: {  	s0 =	sadd.s32 @!p0 $0x100000, s0  }
0xd1: {  	[sflag:s0] =	ssyncadd.tile.s32 @!p0 $0x1;
	_ =	shalt  }
.Lfunc_end2:
_tile_overlayer_lowered:
.L_overlay_start_2:
0xd2: {  	(tag) =	ssettag $0x2  }
0xd3: {  	s0 =	rddreg [dreg:$0x0];
	s2 =	stileid.u32  }
0xd4: {  	s1 =	rddreg [dreg:$0x1];
	p0 =	sne.s32 s2, $0x0  }
0xd5: {  	s3 =	rddreg [dreg:$0x2];
	[bflag:$0x3] =	sbarrier.arrive $0xFFFF;
	s2 =	simm.s32 @!p0 $0x1C11  }
0xd6: {  	[timem:s3], [sflag:s2] =	dma.local @!p0 [hbm:s0], s1  }
0xd7: {  	s0 =	simm.s32 @!p0 $0x11  }
0xd8: {  	_ =	swait.ge @!p0 [sflag:s0], s1  }
0xd9: {  	s1 =	ssub.s32 @!p0 $0x0, s1;
	[sflag:s0] =	ssyncset.done @!p0 $0x0  }
0xda: {  	[sflag:s0] =	ssyncadd.s32 @!p0 s1  }
0xdb: {  	[bflag:$0x3] =	sbarrier.arrive $0xFFFF  }
0xdc: {  	_ =	shalt  }

// kernel: sparse-core-data-format-call.cloned.1.call-start
scs
called_computation_lowered:
.L_overlay_start_0:
0x0: {  	s1 =	sld [smem:$0x3FD9]  }
0x1: {  	s2 =	sld [smem:$0x3FFE];
	_ =	sdelay $0x1  }
0x2: {  	s3 =	srdreg.scid  }
0x3: {  	s0 =	sand.u32 $0x1, s3  }
0x4: {  	s17 =	sshll.u32 s0, $0xA;
	s1 =	sadd.s32 s2, s1  }
0x5: {  	s1 =	sadd.s32 s1, s17  }
0x6: {  	[smem:$0x3FC3] =	sst s1  }
0x7: {  	_ = 	snop  }
0x8: {  	(tm) =	ssettm $0x1  }
0x9: {  	s18 =	sld [smem:$0x3FFB];
	_ =	sdelay $0x3  }
0xa: {  	_ =	strace s18  }
0xb: {  	s1 =	sld [smem:$0x3FFC];
	_ =	sdelay $0x3  }
0xc: {  	_ =	strace s1  }
0xd: {  	s1 =	sld [smem:$0x3FFD];
	_ =	sdelay $0x3  }
0xe: {  	_ =	strace s1  }
0xf: {  	_ =	strace $0x8FFFFFFF  }
0x10: {  	s19 =	sld [smem:$0x3FDB];
	_ =	sdelay $0x1  }
0x11: {  	s20 =	simm.s32 $_scs_section_size  }
0x12: {  	s4 =	simm.s32 $_size__tile_overlayer_lowered;
	s5 =	simm.s32 $_tile_overlayer_lowered  }
0x13: {  	s23 =	simm.s32 $0x1BFF;
	s22 =	sshll.u32 s5, $0x1;
	s1 =	sadd.s32 s20, s19  }
0x14: {  	s6 =	simm.s32 $0x0;
	s21 =	sshll.u32 s4, $0x1;
	s4 =	sadd.s32 s22, s1  }
0x15: {  	[timem:s6], [sflag:s23] =	dma.local [hbm:s4], s21  }
0x16: {  	_ =	swait.ge [sflag:s23], s21  }
0x17: {  	s2 =	ssub.s32 $0x0, s21;
	[sflag:s23] =	ssyncset.done $0x0  }
0x18: {  	[sflag:s23] =	ssyncadd.s32 s2;
	_ =	sdelay $0x1  }
0x19: {  	s24 =	simm.s32 $0x1B8B  }
0x1a: {  	_ =	swait.ge [sflag:s24], $0x1  }
0x1b: {  	[sflag:s24] =	ssyncset.done $0x0  }
0x1c: {  	s26 =	simm.s32 $0x1B8E;
	s25 =	sld [smem:$0x3FFE];
	[sflag:s24] =	ssyncadd.s32 $0xFFFFFFFF  }
0x1d: {  	s27 =	simm.s32 $execute0_lowered;
	[smem:$0x3FD2] =	sst s26  }
0x1e: {  	s4 =	sshll.u32 s27, $0x1;
	_ =	strace $0x80000046;
	[dreg:$0x1] =	wrdreg $0xFFFFFFFF  }
0x1f: {  	s28 =	simm.s32 $_size_execute0_lowered;
	s1 =	sadd.s32 s1, s4;
	[dreg:$0x0] =	wrdreg $0x0  }
0x20: {  	s4 =	sshll.u32 s28, $0x1;
	[dreg:$0x2] =	wrdreg s1  }
0x21: {  	[dreg:$0x3] =	wrdreg s4  }
0x22: {  	[dreg:$0x4] =	wrdreg $0xC0  }
0x23: {  	_ =	task [dreg:s6], $0x5FFFF  }
0x24: {  	[dreg:$0x1] =	wrdreg $0xFFFFFFFF  }
0x25: {  	[dreg:$0x0] =	wrdreg $0x60  }
0x26: {  	[dreg:$0x2] =	wrdreg s25  }
0x27: {  	[dreg:$0x3] =	wrdreg $0x9  }
0x28: {  	_ =	task.clear_ibuf [dreg:s6], $0x4FFFF;
	_ =	strace $0x90000046  }
0x29: {  	s29 =	simm.s32 $0x9;
	_ =	strace $0x80000048  }
0x2a: {  	_ =	swait.ge [sflag:s29], $0x1  }
0x2b: {  	[sflag:s29] =	ssyncadd.s32 $0xFFFFFFFF  }
0x2c: {  	_ =	strace $0x90000048  }
0x2d: {  	_ =	sfence  }
0x2e: {  	s30 =	sld [smem:$0x0];
	_ =	sdelay $0x2  }
0x2f: {  	s31 =	sshll.u32 s3, $0xD;
	s3 =	sshrl.u32 s3, $0x2  }
0x30: {  	s2 =	sand.u32 $0x4000, s31;
	s1 =	sadd.s32 s3, s30  }
0x31: {  	s0 =	sor.u32 s2, s0;
	s1 =	sshll.u32 s1, $0x11  }
0x32: {  	s0 =	sor.u32 s1, s0  }
0x33: {  	s0 =	sadd.s32 $0x8F2B, s0  }
0x34: {  	[sflag:s0] =	ssyncadd.remote.s32 $0x1  }
0x35: {  	_ =	sfence.sel $0xFFFF  }
0x36: {  	[dreg:$0x0] =	wrdreg $0xFFFFFFFF;
	(pc) =	sbr.abs _section_cstart, $3  }
0x37: {  	[dreg:$0x1] =	wrdreg $0xFFFFFFFF  }
0x38: {  	_ =	task.clear_ibuf [dreg:s6], $0x2FFFF;
	_ =	strace $0x9FFFFFFF  }
0x39: {  	(tm) =	ssettm $0x7FFFFFFF  }
tec
execute0_lowered:
.L_overlay_start_1:
0x0: {  	(tag) =	ssettag $0x1  }
0x1: {  	s0 =	srdreg.scid  }
0x2: {  	s5 =	rddreg [dreg:$0x0];
	s1 =	stileid.u32;
	s4 =	simm.s32 $0x1  }
0x3: {  	s6 =	simm.s32 $0x2;
	s8 =	simm.s32 $0x0;
	s2 =	sshll.u32 s0, $0x4  }
0x4: {  	s9 =	simm.s32 $0x0;
	s13 =	simm.s32 $0x0;
	s2 =	sand.u32 $0x10, s2  }
.Ltmp0:
0x5: {  	s10 =	simm.s32 $0x0;
	s3 =	sor.u32 s1, s2;
	(pc) =	sbr.rel .LBB1_1-.Ltmp0, $4  }
0x6: {  	s0 =	rddreg [dreg:$0x1];
	_ =	strace $0x80000047;
	s3 =	sshll.u32 s3, $0x4  }
0x7: {  	s12 =	simm.s32 $0x0;
	[sflag:s4] =	ssyncpa.u1 $0x0;
	s7 =	ssub.s32 $0x41E0, s3  }
0x8: {  	s2 =	sadd.s32 $0xA00, s5;
	[sflag:s6] =	ssyncpa.u1 $0x0;
	s6 =	sshrl.u32 s7, $0x9  }
0x9: {  	s5 =	sadd.s32 $0x210000, s5;
	s11 =	smov.u32 s3;
	s7 =	sadd.s32 $0x2, s6  }
.LBB1_7:
0xa: {  	s15 =	sshll.u32 s12, $0xF  }
0xb: {  	s15 =	sand.u32 $0x8000, s15  }
0xc: {  	s16 =	sshll.u32 s10, $0x7;
	s15 =	sshrl.u32 s15, $0x1  }
0xd: {  	s16 =	sadd.s32 s5, s16;
	s15 =	sor.u32 $0x8000, s15  }
0xe: {  	[hbm4b:s16+s8] =	stream.linear.scatter [tilespmem:s15], [sflag:$0x2], s14, $0x38;
	[tilespmem:$0x10000] =	vst v63  }
.LBB1_8:
0xf: {  	p0 =	slt.u32 s12, $0x2  }
0x10: {  	p1 =	sgt.s32 @!p0 s13, $0x41DB  }
0x11: {  	s14 =	smov.u32 s13;
	s15 =	sshra.s32 @!p0 s13, $0x1F;
	p1 =	por !p1, p0  }
0x12: {  	s13 =	sand.u32 @!p0 s15, s13;
	s14 =	simm.s32 @p1 $0x41DB  }
0x13: {  	s13 =	ssub.s32 @!p0 s14, s13  }
0x14: {  	s13 =	sadd.s32 @!p0 $0xFFFFBE25, s13  }
0x15: {  	s14 =	sshll.u32 @!p0 s13, $0xC  }
0x16: {  	p1 =	sgt.s32 @!p0 s13, $0xF;
	s13 =	ssub.s32 @!p0 $0x10000, s14  }
0x17: {  	s15 =	sadd.s32 $0x200, s11;
	p1 =	por !p1, p0;
	s13 =	sshrl.u32 @!p0 s13, $0x2  }
0x18: {  	s13 =	simm.s32 @!p1 $0x0;
	p1 =	sgt.s32 s15, $0x41EA  }
0x19: {  	s15 =	smov.u32 @p1 s3;
	p1 =	sne.s32 s12, s7  }
.Ltmp1:
0x1a: {  	_ = 	snop;
	(pc) =	sbr.rel @!p1 .LBB1_9-.Ltmp1, $4  }
0x1b: {  	s14 =	simm.s32 @!p0 $0x2  }
0x1c: {  	s9 =	sadd.s32 $0x8000, s9;
	_ =	swait.ge @!p0 [sflag:s14], s13;
	s16 =	ssub.s32 @!p0 $0x0, s13  }
0x1d: {  	s13 =	smov.u32 s10;
	s12 =	sadd.s32 $0x1, s12;
	[sflag:s14] =	ssyncset.done @!p0 $0x0  }
0x1e: {  	s10 =	smov.u32 s11;
	s11 =	smov.u32 s15;
	[sflag:s14] =	ssyncadd.s32 @!p0 s16  }
.LBB1_1:
0x1f: {  	p0 =	sgt.u32 s12, s6  }
0x20: {  	p1 =	sgt.s32 @!p0 s11, $0x41DB  }
0x21: {  	s14 =	smov.u32 s11;
	s15 =	sshra.s32 @!p0 s11, $0x1F;
	p1 =	por !p1, p0  }
0x22: {  	s15 =	sand.u32 @!p0 s15, s11;
	s14 =	simm.s32 @p1 $0x41DB  }
0x23: {  	s14 =	ssub.s32 @!p0 s14, s15  }
0x24: {  	s14 =	sadd.s32 @!p0 $0xFFFFBE25, s14  }
0x25: {  	s16 =	sshll.u32 @!p0 s11, $0x7;
	s17 =	simm.s32 @!p0 $0x0;
	s15 =	sshll.u32 @!p0 s14, $0xC  }
0x26: {  	p1 =	sgt.s32 @!p0 s14, $0xF;
	s14 =	ssub.s32 @!p0 $0x10000, s15;
	s15 =	sxor.u32 @!p0 $0xFFFFFFFF, s12  }
0x27: {  	p1 =	por !p1, p0;
	s14 =	sshrl.u32 @!p0 s14, $0x2;
	s15 =	sshll.u32 @!p0 s15, $0xE  }
0x28: {  	s16 =	sadd.s32 @!p0 s2, s16;
	s14 =	simm.s32 @!p1 $0x0;
	s15 =	sand.u32 @!p0 $0x4000, s15  }
0x29: {  	[tilespmem:s15], [sflag:$0x1] =	stream.linear.gather @!p0 [hbm4b:s16+s17], s14, $0x38;
	[tilespmem:$0x10000] =	vst v63  }
0x2a: {  	p0 =	seq.s32 s12, $0x0  }
0x2b: {  	p1 =	sge.u32 @!p0 s12, s7  }
0x2c: {  	p0 =	por p0, p1  }
.Ltmp2:
0x2d: {  	_ = 	snop;
	(pc) =	sbr.rel @p0 .LBB1_8-.Ltmp2, $1  }
0x2e: {  	_ =	sdelay $0x3  }
0x2f: {  	p0 =	sgt.s32 s10, $0x41DB;
	s14 =	smov.u32 s10;
	s15 =	sshra.s32 s10, $0x1F  }
0x30: {  	s14 =	simm.s32 @!p0 $0x41DB;
	s15 =	sand.u32 s15, s10  }
0x31: {  	s14 =	ssub.s32 s14, s15  }
0x32: {  	s16 =	sadd.s32 $0x10, s10;
	s14 =	sadd.s32 $0xFFFFBE25, s14  }
0x33: {  	p1 =	slt.s32 s16, $0x41EB;
	s30 =	sshll.u32 s14, $0xC  }
0x34: {  	s16 =	simm.s32 @!p1 $0x41EB;
	s15 =	ssub.s32 $0x10000, s30  }
0x35: {  	p0 =	sgt.s32 s14, $0xF;
	s14 =	sshrl.u32 s15, $0x2;
	s15 =	ssub.s32 s16, s10  }
0x36: {  	s14 =	simm.s32 @p0 $0x0;
	p0 =	slt.s32 s15, $0x1  }
.Ltmp3:
0x37: {  	_ = 	snop;
	(pc) =	sbr.rel @p0 .LBB1_7-.Ltmp3, $4  }
0x38: {  	_ = 	snop  }
0x39: {  	_ =	swait.ge [sflag:s4], s14  }
0x3a: {  	s31 =	ssub.s32 $0x0, s14;
	[sflag:s4] =	ssyncset.done $0x0  }
0x3b: {  	[sflag:s4] =	ssyncadd.s32 s31  }
0x3c: {  	s16 =	sshrl.u32 s9, $0x1  }
0x3d: {  	s17 =	sand.u32 $0x4000, s16  }
0x3e: {  	s18 =	simm.s32 $0x0;
	s16 =	sor.u32 $0x200, s17;
	s17 =	sor.u32 $0x8080, s17  }
.LBB1_4:
0x3f: {  	v0 =	vld [tilespmem:s16+$0xFFFFFE70]  }
0x40: {  	v1 =	vld [tilespmem:s16+$0x70]  }
0x41: {  	v2 =	vld [tilespmem:s16+$0x0]  }
0x42: {  	v3 =	vld [tilespmem:s16+$0xFFFFFE10]  }
0x43: {  	v4 =	vld [tilespmem:s16+$0x10]  }
0x44: {  	v5 =	vld [tilespmem:s16+$0xFFFFFE20]  }
0x45: {  	v7 =	vld [tilespmem:s16+$0x20]  }
0x46: {  	v11 =	vld [tilespmem:s16+$0x30];
	v6 =	vunpack.i.l.s16.s32 v0;
	v8 =	vunpack.i.u.s16.s32 v0;
	v9 =	vunpack.i.u.s16.s32 v1  }
0x47: {  	v10 =	vunpack.i.l.s16.s32 v1;
	v0 =	vunpack.i.u.s16.s32 v2;
	v1 =	vunpack.i.l.s16.s32 v2;
	v2 =	vld [tilespmem:s16+$0xFFFFFE30]  }
0x48: {  	v8 =	vpack.i.b32.b16 v9, v8;
	v9 =	vunpack.i.u.s16.s32 v3;
	v3 =	vunpack.i.l.s16.s32 v3  }
0x49: {  	v12 =	vld [tilespmem:s16+$0xFFFFFE40];
	v6 =	vpack.i.b32.b16 v10, v6;
	[tilespmem:s17+$0x70] =	vst v8;
	v8 =	vunpack.i.u.s16.s32 v4;
	v4 =	vunpack.i.l.s16.s32 v4  }
0x4a: {  	v13 =	vld [tilespmem:s16+$0x40];
	v10 =	vunpack.i.u.s16.s32 v5;
	v5 =	vunpack.i.l.s16.s32 v5;
	[tilespmem:s17+$0xFFFFFFF0] =	vst v6;
	v3 =	vpack.i.b32.b16 v4, v3  }
0x4b: {  	v6 =	vunpack.i.l.s16.s32 v7;
	v4 =	vld [tilespmem:s16+$0xFFFFFE50];
	[tilespmem:s17+$0xFFFFFF90] =	vst v3;
	v3 =	vpack.i.b32.b16 v8, v9;
	v8 =	vunpack.i.u.s16.s32 v7  }
0x4c: {  	v7 =	vunpack.i.l.s16.s32 v11;
	[tilespmem:s17+$0x10] =	vst v3;
	v3 =	vpack.i.b32.b16 v6, v5;
	v9 =	vunpack.i.u.s16.s32 v2;
	v6 =	vld [tilespmem:s16+$0x50]  }
0x4d: {  	v5 =	vunpack.i.l.s16.s32 v2;
	v2 =	vld [tilespmem:s16+$0xFFFFFE60];
	[tilespmem:s17+$0xFFFFFFA0] =	vst v3;
	v3 =	vpack.i.b32.b16 v8, v10;
	v10 =	vunpack.i.u.s16.s32 v11  }
0x4e: {  	s21 =	simm.s32 $0x0;
	v11 =	vpack.i.b32.b16 v7, v5;
	v7 =	vunpack.i.u.s16.s32 v12;
	v8 =	vunpack.i.l.s16.s32 v12;
	[tilespmem:s17+$0x20] =	vst v3;
	v3 =	vld [tilespmem:s16+$0x60]  }
0x4f: {  	s22 =	sadd.s32 $0x80, s16;
	s20 =	smov.u32 s17;
	s19 =	smov.u32 s17;
	v5 =	vld [tilespmem:s16+$0xFFFFFE00];
	[tilespmem:s17+$0xFFFFFFB0] =	vst v11;
	v10 =	vpack.i.b32.b16 v10, v9;
	v9 =	vunpack.i.u.s16.s32 v13;
	v11 =	vunpack.i.l.s16.s32 v13  }
.LBB1_5:
0x50: {  	v12 =	vld [tilespmem:s22+$0xFFFFFE70];
	[tilespmem:s20+$0x30] =	vst v10;
	v8 =	vpack.i.b32.b16 v11, v8;
	v10 =	vunpack.i.u.s16.s32 v4;
	v4 =	vunpack.i.l.s16.s32 v4  }
0x51: {  	s21 =	sadd.s32 $0x2, s21;
	v7 =	vpack.i.b32.b16 v9, v7;
	v11 =	vld [tilespmem:s22+$0x70];
	[tilespmem:s20+$0xFFFFFFC0] =	vst v8;
	v8 =	vunpack.i.u.s16.s32 v6;
	v6 =	vunpack.i.l.s16.s32 v6  }
0x52: {  	p0 =	slt.u32 s21, $0x6;
	v9 =	vld [tilespmem:s22+$0x0];
	[tilespmem:s20+$0x40] =	vst v7;
	v4 =	vpack.i.b32.b16 v6, v4;
	v6 =	vunpack.i.u.s16.s32 v2;
	v2 =	vunpack.i.l.s16.s32 v2  }
0x53: {  	v7 =	vld [tilespmem:s22+$0xFFFFFE10];
	[tilespmem:s20+$0xFFFFFFD0] =	vst v4;
	v4 =	vpack.i.b32.b16 v8, v10;
	v8 =	vunpack.i.u.s16.s32 v3;
	v3 =	vunpack.i.l.s16.s32 v3  }
0x54: {  	v10 =	vld [tilespmem:s22+$0x10];
	v13 =	vunpack.i.u.s16.s32 v5;
	v5 =	vunpack.i.l.s16.s32 v5;
	[tilespmem:s20+$0x50] =	vst v4;
	v2 =	vpack.i.b32.b16 v3, v2  }
0x55: {  	v3 =	vld [tilespmem:s22+$0xFFFFFE20];
	v4 =	vunpack.i.l.s16.s32 v12;
	v1 =	vpack.i.b32.b16 v1, v5;
	v5 =	vpack.i.b32.b16 v0, v13;
	[tilespmem:s20+$0xFFFFFFE0] =	vst v2  }
0x56: {  	v12 =	vunpack.i.u.s16.s32 v12;
	v2 =	vld [tilespmem:s22+$0x20];
	v13 =	vunpack.i.u.s16.s32 v11;
	v11 =	vunpack.i.l.s16.s32 v11;
	[tilespmem:s20+$0xFFFFFF80] =	vst v1  }
0x57: {  	s20 =	sadd.s32 $0x100, s20;
	v0 =	vunpack.i.u.s16.s32 v9;
	v1 =	vunpack.i.l.s16.s32 v9;
	v9 =	vld [tilespmem:s22+$0xFFFFFE30];
	v12 =	vpack.i.b32.b16 v13, v12;
	[tilespmem:s19+$0x0] =	vst v5  }
0x58: {  	v6 =	vpack.i.b32.b16 v8, v6;
	v5 =	vunpack.i.u.s16.s32 v7;
	v7 =	vunpack.i.l.s16.s32 v7;
	v13 =	vld [tilespmem:s22+$0x30];
	[tilespmem:s20+$0x70] =	vst v12  }
0x59: {  	v4 =	vpack.i.b32.b16 v11, v4;
	v8 =	vunpack.i.u.s16.s32 v10;
	v10 =	vunpack.i.l.s16.s32 v10;
	v12 =	vld [tilespmem:s22+$0xFFFFFE40];
	[tilespmem:s19+$0x60] =	vst v6;
	s19 =	smov.u32 s20  }
0x5a: {  	v6 =	vpack.i.b32.b16 v10, v7;
	v7 =	vunpack.i.u.s16.s32 v3;
	v3 =	vunpack.i.l.s16.s32 v3;
	v11 =	vld [tilespmem:s22+$0x40];
	[tilespmem:s20+$0xFFFFFFF0] =	vst v4  }
.Ltmp4:
0x5b: {  	v5 =	vpack.i.b32.b16 v8, v5;
	[tilespmem:s20+$0xFFFFFF90] =	vst v6;
	v8 =	vunpack.i.u.s16.s32 v2;
	v2 =	vunpack.i.l.s16.s32 v2;
	v4 =	vld [tilespmem:s22+$0xFFFFFE50];
	(pc) =	sbr.rel @p0 .LBB1_5-.Ltmp4, $4  }
0x5c: {  	[tilespmem:s20+$0x10] =	vst v5;
	v2 =	vpack.i.b32.b16 v2, v3;
	v10 =	vunpack.i.u.s16.s32 v9;
	v3 =	vunpack.i.l.s16.s32 v9;
	v6 =	vld [tilespmem:s22+$0x50]  }
0x5d: {  	v5 =	vpack.i.b32.b16 v8, v7;
	[tilespmem:s20+$0xFFFFFFA0] =	vst v2;
	v9 =	vunpack.i.u.s16.s32 v13;
	v7 =	vunpack.i.l.s16.s32 v13;
	v2 =	vld [tilespmem:s22+$0xFFFFFE60]  }
0x5e: {  	[tilespmem:s20+$0x20] =	vst v5;
	v13 =	vpack.i.b32.b16 v7, v3;
	v7 =	vunpack.i.u.s16.s32 v12;
	v8 =	vunpack.i.l.s16.s32 v12;
	v3 =	vld [tilespmem:s22+$0x60]  }
0x5f: {  	v10 =	vpack.i.b32.b16 v9, v10;
	v5 =	vld [tilespmem:s22+$0xFFFFFE00];
	[tilespmem:s20+$0xFFFFFFB0] =	vst v13;
	v9 =	vunpack.i.u.s16.s32 v11;
	v11 =	vunpack.i.l.s16.s32 v11;
	s22 =	sadd.s32 $0x80, s22  }
0x60: {  	[tilespmem:s20+$0x30] =	vst v10;
	v8 =	vpack.i.b32.b16 v11, v8  }
0x61: {  	v51 =	vunpack.i.l.s16.s32 v4;
	v7 =	vpack.i.b32.b16 v9, v7;
	[tilespmem:s20+$0xFFFFFFC0] =	vst v8;
	v52 =	vunpack.i.l.s16.s32 v6  }
0x62: {  	v53 =	vunpack.i.u.s16.s32 v4;
	s18 =	sadd.s32 $0x1, s18;
	v54 =	vunpack.i.u.s16.s32 v6;
	[tilespmem:s20+$0x40] =	vst v7;
	v55 =	vpack.i.b32.b16 v52, v51  }
0x63: {  	p0 =	sne.s32 s18, s15;
	v56 =	vunpack.i.l.s16.s32 v2;
	v4 =	vpack.i.b32.b16 v54, v53;
	[tilespmem:s20+$0xFFFFFFD0] =	vst v55;
	v57 =	vunpack.i.l.s16.s32 v3  }
.Ltmp5:
0x64: {  	[tilespmem:s20+$0x50] =	vst v4;
	v58 =	vunpack.i.l.s16.s32 v5;
	v59 =	vpack.i.b32.b16 v57, v56;
	(pc) =	sbr.rel @p0 .LBB1_4-.Ltmp5, $4  }
.Ltmp6:
0x65: {  	v61 =	vunpack.i.u.s16.s32 v2;
	v62 =	vunpack.i.u.s16.s32 v3;
	v1 =	vpack.i.b32.b16 v1, v58;
	[tilespmem:s20+$0xFFFFFFE0] =	vst v59;
	(pc) =	sbr.rel @!p0 .LBB1_7-.Ltmp6, $4  }
0x66: {  	v60 =	vunpack.i.u.s16.s32 v5;
	v63 =	vpack.i.b32.b16 v62, v61;
	[tilespmem:s20+$0xFFFFFF80] =	vst v1  }
0x67: {  	v0 =	vpack.i.b32.b16 v0, v60;
	[tilespmem:s19+$0x60] =	vst v63  }
0x68: {  	s16 =	sadd.s32 $0x400, s16;
	s17 =	sadd.s32 $0x400, s17;
	[tilespmem:s19+$0x0] =	vst v0  }
0x69: {  	_ = 	snop  }
.LBB1_9:
0x6a: {  	_ =	sfence.sel $0x180000  }
0x6b: {  	s2 =	simm.s32 $0x1;
	[bflag:$0x0] =	sbarrier.arrive $0xFFFF  }
0x6c: {  	s31 =	simm.s32 $0x2;
	[sflag:s2] =	ssyncpa.u1 $0x1  }
0x6d: {  	[sflag:s31] =	ssyncpa.u1 $0x1  }
0x6e: {  	p0 =	sne.s32 s1, $0x0;
	_ =	strace $0x90000047  }
0x6f: {  	s0 =	sadd.s32 @!p0 $0x100000, s0;
	[bflag:$0x2] =	sbarrier.arrive $0xFFFF  }
0x70: {  	[sflag:s0] =	ssyncadd.tile.s32 @!p0 $0x1;
	_ =	shalt  }
.Lfunc_end1:
_tile_overlayer_lowered:
.L_overlay_start_2:
0x71: {  	(tag) =	ssettag $0x2  }
0x72: {  	s0 =	rddreg [dreg:$0x0];
	s2 =	stileid.u32  }
0x73: {  	s1 =	rddreg [dreg:$0x1];
	p0 =	sne.s32 s2, $0x0  }
0x74: {  	s3 =	rddreg [dreg:$0x2];
	[bflag:$0x3] =	sbarrier.arrive $0xFFFF;
	s2 =	simm.s32 @!p0 $0x1C01  }
0x75: {  	[timem:s3], [sflag:s2] =	dma.local @!p0 [hbm:s0], s1  }
0x76: {  	s0 =	simm.s32 @!p0 $0x1  }
0x77: {  	_ =	swait.ge @!p0 [sflag:s0], s1  }
0x78: {  	s1 =	ssub.s32 @!p0 $0x0, s1;
	[sflag:s0] =	ssyncset.done @!p0 $0x0  }
0x79: {  	[sflag:s0] =	ssyncadd.s32 @!p0 s1  }
0x7a: {  	[bflag:$0x3] =	sbarrier.arrive $0xFFFF  }
0x7b: {  	_ =	shalt  }

</sc_bundles>
